<compile_context>
chip_gen: v7x
topology: tpu7x:2x2x1
jax: 0.10.2.dev20260603
libtpu: 0.0.44.dev20260713+nightly
codegen_flags: <defaults>
</compile_context>

<pallas_src>
import jax
import jax.numpy as jnp
from jax import lax
from jax.experimental import pallas as pl
from jax.experimental.pallas import tpu as pltpu
from jax.experimental.pallas import tpu_sc as plsc

_PATH_NUM = 16
_PER_PATH = 1024
_D = 1024
_NUM_TOKENS = 8192
_ROWS = _PATH_NUM * _PER_PATH

_NC = 2
_NS = 16
_NW = _NC * _NS

_T_SC = 2048
_T0 = _NUM_TOKENS - _T_SC
_TPW = _T_SC // _NW
_SUB = 32
_NSR = _TPW // _SUB
_NACC = 2
_BB = 16
_NBB = _SUB // _BB
_KU = 8

_TC_BLK = 512


def _sc_body(data_hbm, tags_hbm, out_hbm, acc0, acc1, dbuf0, dbuf1,
             tbuf_v, tbuf, sem_a0, sem_a1, sem_w0, sem_w1, sem_t,
             sem_d0, sem_d1):
    c = lax.axis_index("c")
    s = lax.axis_index("s")
    w = s * _NC + c
    t0 = _T0 + w * _TPW
    accs = (acc0, acc1)
    asems = (sem_a0, sem_a1)
    wsems = (sem_w0, sem_w1)
    dbufs = (dbuf0, dbuf1)
    dsems = (sem_d0, sem_d1)

    tag_cp = pltpu.async_copy(
        tags_hbm.at[pl.ds(_NUM_TOKENS + t0, _TPW)], tbuf_v, sem_t)
    init_cp = [None] * _NSR
    for sr in range(min(_NACC, _NSR)):
        init_cp[sr] = pltpu.async_copy(
            data_hbm.at[pl.ds(t0 + sr * _SUB, _SUB), :], accs[sr % _NACC],
            asems[sr % _NACC])
    tag_cp.wait()
    for g in range(_TPW // 16):
        tv = tbuf_v[pl.ds(g * 16, 16)] - t0
        for j in range(16):
            tbuf[g * 16 + j] = tv[j]

    wb_cp = [None] * _NSR
    wb_waited = [False] * _NSR
    for sr in range(_NSR):
        b0 = t0 + sr * _SUB
        r0 = _NUM_TOKENS + b0
        acc = accs[sr % _NACC]
        d_cp = pltpu.async_copy(
            data_hbm.at[pl.ds(r0, _BB), :], dbufs[0], dsems[0])
        init_cp[sr].wait()
        for bb in range(_NBB):
            if bb + 1 < _NBB:
                nxt = pltpu.async_copy(
                    data_hbm.at[pl.ds(r0 + (bb + 1) * _BB, _BB), :],
                    dbufs[(bb + 1) % 2], dsems[(bb + 1) % 2])
            d_cp.wait()
            dbuf = dbufs[bb % 2]

            @plsc.parallel_loop(0, _BB)
            def rbody(rr, _bb=bb, _sr=sr, _dbuf=dbuf, _acc=acc):
                ltag = tbuf[_sr * _SUB + _bb * _BB + rr] - _sr * _SUB

                @plsc.parallel_loop(0, _D // 16, _KU)
                def kbody(k0):
                    sls = [pl.ds((k0 + k2) * 16, 16) for k2 in range(_KU)]
                    vals = [_dbuf[rr, sl] for sl in sls]
                    for sl, val in zip(sls, vals):
                        plsc.addupdate(_acc.at[ltag, sl], val)

            if bb + 1 < _NBB:
                d_cp = nxt
        wb_cp[sr] = pltpu.async_copy(
            acc, out_hbm.at[pl.ds(b0 - _T0, _SUB), :], wsems[sr % _NACC])
        if sr + _NACC < _NSR:
            prev = sr + _NACC - _NACC
            wb_cp[prev].wait()
            wb_waited[prev] = True
            init_cp[sr + _NACC] = pltpu.async_copy(
                data_hbm.at[pl.ds(t0 + (sr + _NACC) * _SUB, _SUB), :],
                accs[(sr + _NACC) % _NACC], asems[(sr + _NACC) % _NACC])
    for sr in range(_NSR):
        if not wb_waited[sr]:
            wb_cp[sr].wait()


def _tc_add_body(a_ref, b_ref, o_ref):
    o_ref[...] = a_ref[...] + b_ref[...]


def kernel(in_flows_data, in_flows_tag):
    data = in_flows_data.reshape(_ROWS, _D)
    tags = in_flows_tag.reshape(_ROWS)

    mesh = plsc.VectorSubcoreMesh(core_axis_name="c", subcore_axis_name="s")
    sc_part = pl.kernel(
        _sc_body,
        out_type=jax.ShapeDtypeStruct((_T_SC, _D), jnp.float32),
        mesh=mesh,
        scratch_types=[
            pltpu.VMEM((_SUB, _D), jnp.float32),
            pltpu.VMEM((_SUB, _D), jnp.float32),
            pltpu.VMEM((_BB, _D), jnp.float32),
            pltpu.VMEM((_BB, _D), jnp.float32),
            pltpu.VMEM((_TPW,), jnp.int32),
            pltpu.SMEM((_TPW,), jnp.int32),
            pltpu.SemaphoreType.DMA,
            pltpu.SemaphoreType.DMA,
            pltpu.SemaphoreType.DMA,
            pltpu.SemaphoreType.DMA,
            pltpu.SemaphoreType.DMA,
            pltpu.SemaphoreType.DMA,
            pltpu.SemaphoreType.DMA,
        ],
    )(data, tags)

    tc_full = pl.pallas_call(
        _tc_add_body,
        grid=(_T0 // _TC_BLK,),
        in_specs=[
            pl.BlockSpec((_TC_BLK, _D), lambda i: (i, 0)),
            pl.BlockSpec((_TC_BLK, _D),
                         lambda i: (i + _NUM_TOKENS // _TC_BLK, 0)),
        ],
        out_specs=pl.BlockSpec((_TC_BLK, _D), lambda i: (i, 0)),
        out_shape=jax.ShapeDtypeStruct((_NUM_TOKENS, _D), jnp.float32),
    )(data, data)

    out = lax.dynamic_update_slice(tc_full, sc_part, (_T0, 0))
    out_tag = jnp.arange(_NUM_TOKENS, dtype=in_flows_tag.dtype).reshape(-1, 1)
    return out, out_tag

# --- scband reference (transcript-rebuilt; emitter-appended) ---
"""Pipeline reference for scband-gather-router-4054449127995 (READ-ONLY COPY).

The authoritative reference and input builder live on the scoring server;
editing this copy changes nothing except your own understanding.
"""

import jax, jax.numpy as jnp
import numpy as np

PATH_NUM = 16
PER_PATH = 1024
D_MODEL = 1024
NUM_TOKENS = 8192  # 8192 tokens, top_k=2 -> each token appears on 2 paths


def setup_inputs(seed: int = 0) -> dict:
    key = jax.random.key(seed)
    data = jax.random.normal(key, (PATH_NUM, PER_PATH, D_MODEL), dtype=jnp.float32)
    # tags: token ids in [0, NUM_TOKENS); arange % NUM_TOKENS gives each token exactly twice (top_k=2)
    tags = (jnp.arange(PATH_NUM * PER_PATH, dtype=jnp.int32) % NUM_TOKENS).reshape(PATH_NUM, PER_PATH)
    return {"in_flows_data": data, "in_flows_tag": tags}


def reference(in_flows_data, in_flows_tag):
    # GatherRouter.combine with sparse=True, reduction='add':
    # 1) concatenate per-path data and tags
    # 2) unique(sorted) tags with inverse indices
    # 3) scatter-add per-path outputs into the unique-tag slots
    P, N, D = in_flows_data.shape
    data = in_flows_data.reshape(P * N, D)
    tags = in_flows_tag.reshape(P * N)
    out_tag, inverse = jnp.unique(tags, return_inverse=True, size=NUM_TOKENS)
    out_load = out_tag.shape[0]
    out_data = jnp.zeros((out_load, D), dtype=data.dtype).at[inverse].add(data)
    return out_data, out_tag.reshape(-1, 1)

if __name__ == "__main__":
    import jax
    _d = setup_inputs()
    print(jax.jit(kernel)(*tuple(_d.values())))

</pallas_src>

<mosaic_0001>
#map = affine_map<(d0, d1) -> (0, 0)>
#map1 = affine_map<(d0, d1) -> (0)>
module attributes {stable_mosaic.version = 14 : i64} {
  func.func @_sc_body(%arg0: i32, %arg1: i32, %arg2: memref<16384x1024xf32, #tpu.memory_space<hbm>>, %arg3: memref<16384xi32, #tpu.memory_space<hbm>>, %arg4: memref<2048x1024xf32, #tpu.memory_space<hbm>>, %arg5: memref<32x1024xf32, #tpu.memory_space<vmem>>, %arg6: memref<32x1024xf32, #tpu.memory_space<vmem>>, %arg7: memref<16x1024xf32, #tpu.memory_space<vmem>>, %arg8: memref<16x1024xf32, #tpu.memory_space<vmem>>, %arg9: memref<64xi32, #tpu.memory_space<vmem>>, %arg10: memref<64xi32, #tpu.memory_space<smem>>, %arg11: memref<!tpu.dma_semaphore, #tpu.memory_space<semaphore_mem>>, %arg12: memref<!tpu.dma_semaphore, #tpu.memory_space<semaphore_mem>>, %arg13: memref<!tpu.dma_semaphore, #tpu.memory_space<semaphore_mem>>, %arg14: memref<!tpu.dma_semaphore, #tpu.memory_space<semaphore_mem>>, %arg15: memref<!tpu.dma_semaphore, #tpu.memory_space<semaphore_mem>>, %arg16: memref<!tpu.dma_semaphore, #tpu.memory_space<semaphore_mem>>, %arg17: memref<!tpu.dma_semaphore, #tpu.memory_space<semaphore_mem>>) attributes {dimension_semantics = [#tpu.dimension_semantics<core_parallel>, #tpu.dimension_semantics<subcore_parallel>], iteration_bounds = array<i64: 2, 16>, scalar_prefetch = 0 : i64, scratch_operands = 13 : i64, tpu.core_type = #tpu.core_type<sc_vector_subcore>, window_params = [{transform_indices = #map}, {transform_indices = #map1}, {transform_indices = #map}]} {
    %mul3A = arith.constant 2 : i32
    %mul3A_0 = arith.muli %arg1, %mul3A : i32
    %add3A = arith.addi %mul3A_0, %arg0 : i32
    %mul3A_1 = arith.constant 64 : i32
    %mul3A_2 = arith.muli %add3A, %mul3A_1 : i32
    %add3A_3 = arith.constant 6144 : i32
    %add3A_4 = arith.addi %add3A_3, %mul3A_2 : i32
    %add3A_5 = arith.constant 8192 : i32
    %add3A_6 = arith.addi %add3A_5, %add3A_4 : i32
    %dma_start3A = tpu.memref_slice %arg3[%add3A_6] : memref<16384xi32, #tpu.memory_space<hbm>> -> memref<64xi32, #tpu.memory_space<hbm>>
    %dma_start3A_7 = tpu.memref_slice %arg3[%add3A_6] : memref<16384xi32, #tpu.memory_space<hbm>> -> memref<64xi32, #tpu.memory_space<hbm>>
    tpu.enqueue_dma source(%dma_start3A_7 : memref<64xi32, #tpu.memory_space<hbm>>) target(%arg9 : memref<64xi32, #tpu.memory_space<vmem>>) target_semaphore(%arg15 : memref<!tpu.dma_semaphore, #tpu.memory_space<semaphore_mem>>)
    %add3A_8 = arith.constant 0 : i32
    %add3A_9 = arith.addi %add3A_4, %add3A_8 : i32
    %dma_start3A_10 = arith.constant 0 : i32
    %dma_start3A_11 = tpu.memref_slice %arg2[%add3A_9, %dma_start3A_10] : memref<16384x1024xf32, #tpu.memory_space<hbm>> -> memref<32x1024xf32, #tpu.memory_space<hbm>>
    %dma_start3A_12 = arith.constant 0 : i32
    %dma_start3A_13 = tpu.memref_slice %arg2[%add3A_9, %dma_start3A_12] : memref<16384x1024xf32, #tpu.memory_space<hbm>> -> memref<32x1024xf32, #tpu.memory_space<hbm>>
    tpu.enqueue_dma source(%dma_start3A_13 : memref<32x1024xf32, #tpu.memory_space<hbm>>) target(%arg5 : memref<32x1024xf32, #tpu.memory_space<vmem>>) target_semaphore(%arg11 : memref<!tpu.dma_semaphore, #tpu.memory_space<semaphore_mem>>)
    %add3A_14 = arith.constant 32 : i32
    %add3A_15 = arith.addi %add3A_4, %add3A_14 : i32
    %dma_start3A_16 = arith.constant 0 : i32
    %dma_start3A_17 = tpu.memref_slice %arg2[%add3A_15, %dma_start3A_16] : memref<16384x1024xf32, #tpu.memory_space<hbm>> -> memref<32x1024xf32, #tpu.memory_space<hbm>>
    %dma_start3A_18 = arith.constant 0 : i32
    %dma_start3A_19 = tpu.memref_slice %arg2[%add3A_15, %dma_start3A_18] : memref<16384x1024xf32, #tpu.memory_space<hbm>> -> memref<32x1024xf32, #tpu.memory_space<hbm>>
    tpu.enqueue_dma source(%dma_start3A_19 : memref<32x1024xf32, #tpu.memory_space<hbm>>) target(%arg6 : memref<32x1024xf32, #tpu.memory_space<vmem>>) target_semaphore(%arg12 : memref<!tpu.dma_semaphore, #tpu.memory_space<semaphore_mem>>)
    %dma_wait3A = tpu.memref_slice %arg3[%add3A_6] : memref<16384xi32, #tpu.memory_space<hbm>> -> memref<64xi32, #tpu.memory_space<hbm>>
    %dma_wait3A_20 = tpu.memref_slice %arg3[%add3A_6] : memref<16384xi32, #tpu.memory_space<hbm>> -> memref<64xi32, #tpu.memory_space<hbm>>
    tpu.wait_dma2 semaphore(%arg15 : memref<!tpu.dma_semaphore, #tpu.memory_space<semaphore_mem>>) src(%dma_wait3A_20 : memref<64xi32, #tpu.memory_space<hbm>>) dst(%arg9 : memref<64xi32, #tpu.memory_space<vmem>>)
    %get3A = arith.constant 0 : index
    %get3A_21 = tpu.vector_load %arg9[%get3A] {strides = array<i32>} : memref<64xi32, #tpu.memory_space<vmem>>, vector<16xi32>,
    %get3A_22 = vector.shape_cast %get3A_21 : vector<16xi32> to vector<16xi32>
    %sub3A = vector.broadcast %add3A_4 : i32 to vector<16xi32>
    %sub3A_23 = arith.subi %get3A_22, %sub3A : vector<16xi32>
    %slice3A = vector.extract_strided_slice %sub3A_23 {offsets = [0], sizes = [1], strides = [1]} : vector<16xi32> to vector<1xi32>
    %squeeze3A = vector.extract %slice3A[0] : i32 from vector<1xi32>
    %swap3A = arith.constant 0 : i32
    %swap3A_24 = arith.index_cast %swap3A : i32 to index
    %swap3A_25 = memref.load %arg10[%swap3A_24] : memref<64xi32, #tpu.memory_space<smem>>
    memref.store %squeeze3A, %arg10[%swap3A_24] : memref<64xi32, #tpu.memory_space<smem>>
    %slice3A_26 = vector.extract_strided_slice %sub3A_23 {offsets = [1], sizes = [1], strides = [1]} : vector<16xi32> to vector<1xi32>
    %squeeze3A_27 = vector.extract %slice3A_26[0] : i32 from vector<1xi32>
    %swap3A_28 = arith.constant 1 : i32
    %swap3A_29 = arith.index_cast %swap3A_28 : i32 to index
    %swap3A_30 = memref.load %arg10[%swap3A_29] : memref<64xi32, #tpu.memory_space<smem>>
    memref.store %squeeze3A_27, %arg10[%swap3A_29] : memref<64xi32, #tpu.memory_space<smem>>
    %slice3A_31 = vector.extract_strided_slice %sub3A_23 {offsets = [2], sizes = [1], strides = [1]} : vector<16xi32> to vector<1xi32>
    %squeeze3A_32 = vector.extract %slice3A_31[0] : i32 from vector<1xi32>
    %swap3A_33 = arith.constant 2 : i32
    %swap3A_34 = arith.index_cast %swap3A_33 : i32 to index
    %swap3A_35 = memref.load %arg10[%swap3A_34] : memref<64xi32, #tpu.memory_space<smem>>
    memref.store %squeeze3A_32, %arg10[%swap3A_34] : memref<64xi32, #tpu.memory_space<smem>>
    %slice3A_36 = vector.extract_strided_slice %sub3A_23 {offsets = [3], sizes = [1], strides = [1]} : vector<16xi32> to vector<1xi32>
    %squeeze3A_37 = vector.extract %slice3A_36[0] : i32 from vector<1xi32>
    %swap3A_38 = arith.constant 3 : i32
    %swap3A_39 = arith.index_cast %swap3A_38 : i32 to index
    %swap3A_40 = memref.load %arg10[%swap3A_39] : memref<64xi32, #tpu.memory_space<smem>>
    memref.store %squeeze3A_37, %arg10[%swap3A_39] : memref<64xi32, #tpu.memory_space<smem>>
    %slice3A_41 = vector.extract_strided_slice %sub3A_23 {offsets = [4], sizes = [1], strides = [1]} : vector<16xi32> to vector<1xi32>
    %squeeze3A_42 = vector.extract %slice3A_41[0] : i32 from vector<1xi32>
    %swap3A_43 = arith.constant 4 : i32
    %swap3A_44 = arith.index_cast %swap3A_43 : i32 to index
    %swap3A_45 = memref.load %arg10[%swap3A_44] : memref<64xi32, #tpu.memory_space<smem>>
    memref.store %squeeze3A_42, %arg10[%swap3A_44] : memref<64xi32, #tpu.memory_space<smem>>
    %slice3A_46 = vector.extract_strided_slice %sub3A_23 {offsets = [5], sizes = [1], strides = [1]} : vector<16xi32> to vector<1xi32>
    %squeeze3A_47 = vector.extract %slice3A_46[0] : i32 from vector<1xi32>
    %swap3A_48 = arith.constant 5 : i32
    %swap3A_49 = arith.index_cast %swap3A_48 : i32 to index
    %swap3A_50 = memref.load %arg10[%swap3A_49] : memref<64xi32, #tpu.memory_space<smem>>
    memref.store %squeeze3A_47, %arg10[%swap3A_49] : memref<64xi32, #tpu.memory_space<smem>>
    %slice3A_51 = vector.extract_strided_slice %sub3A_23 {offsets = [6], sizes = [1], strides = [1]} : vector<16xi32> to vector<1xi32>
    %squeeze3A_52 = vector.extract %slice3A_51[0] : i32 from vector<1xi32>
    %swap3A_53 = arith.constant 6 : i32
    %swap3A_54 = arith.index_cast %swap3A_53 : i32 to index
    %swap3A_55 = memref.load %arg10[%swap3A_54] : memref<64xi32, #tpu.memory_space<smem>>
    memref.store %squeeze3A_52, %arg10[%swap3A_54] : memref<64xi32, #tpu.memory_space<smem>>
    %slice3A_56 = vector.extract_strided_slice %sub3A_23 {offsets = [7], sizes = [1], strides = [1]} : vector<16xi32> to vector<1xi32>
    %squeeze3A_57 = vector.extract %slice3A_56[0] : i32 from vector<1xi32>
    %swap3A_58 = arith.constant 7 : i32
    %swap3A_59 = arith.index_cast %swap3A_58 : i32 to index
    %swap3A_60 = memref.load %arg10[%swap3A_59] : memref<64xi32, #tpu.memory_space<smem>>
    memref.store %squeeze3A_57, %arg10[%swap3A_59] : memref<64xi32, #tpu.memory_space<smem>>
    %slice3A_61 = vector.extract_strided_slice %sub3A_23 {offsets = [8], sizes = [1], strides = [1]} : vector<16xi32> to vector<1xi32>
    %squeeze3A_62 = vector.extract %slice3A_61[0] : i32 from vector<1xi32>
    %swap3A_63 = arith.constant 8 : i32
    %swap3A_64 = arith.index_cast %swap3A_63 : i32 to index
    %swap3A_65 = memref.load %arg10[%swap3A_64] : memref<64xi32, #tpu.memory_space<smem>>
    memref.store %squeeze3A_62, %arg10[%swap3A_64] : memref<64xi32, #tpu.memory_space<smem>>
    %slice3A_66 = vector.extract_strided_slice %sub3A_23 {offsets = [9], sizes = [1], strides = [1]} : vector<16xi32> to vector<1xi32>
    %squeeze3A_67 = vector.extract %slice3A_66[0] : i32 from vector<1xi32>
    %swap3A_68 = arith.constant 9 : i32
    %swap3A_69 = arith.index_cast %swap3A_68 : i32 to index
    %swap3A_70 = memref.load %arg10[%swap3A_69] : memref<64xi32, #tpu.memory_space<smem>>
    memref.store %squeeze3A_67, %arg10[%swap3A_69] : memref<64xi32, #tpu.memory_space<smem>>
    %slice3A_71 = vector.extract_strided_slice %sub3A_23 {offsets = [10], sizes = [1], strides = [1]} : vector<16xi32> to vector<1xi32>
    %squeeze3A_72 = vector.extract %slice3A_71[0] : i32 from vector<1xi32>
    %swap3A_73 = arith.constant 10 : i32
    %swap3A_74 = arith.index_cast %swap3A_73 : i32 to index
    %swap3A_75 = memref.load %arg10[%swap3A_74] : memref<64xi32, #tpu.memory_space<smem>>
    memref.store %squeeze3A_72, %arg10[%swap3A_74] : memref<64xi32, #tpu.memory_space<smem>>
    %slice3A_76 = vector.extract_strided_slice %sub3A_23 {offsets = [11], sizes = [1], strides = [1]} : vector<16xi32> to vector<1xi32>
    %squeeze3A_77 = vector.extract %slice3A_76[0] : i32 from vector<1xi32>
    %swap3A_78 = arith.constant 11 : i32
    %swap3A_79 = arith.index_cast %swap3A_78 : i32 to index
    %swap3A_80 = memref.load %arg10[%swap3A_79] : memref<64xi32, #tpu.memory_space<smem>>
    memref.store %squeeze3A_77, %arg10[%swap3A_79] : memref<64xi32, #tpu.memory_space<smem>>
    %slice3A_81 = vector.extract_strided_slice %sub3A_23 {offsets = [12], sizes = [1], strides = [1]} : vector<16xi32> to vector<1xi32>
    %squeeze3A_82 = vector.extract %slice3A_81[0] : i32 from vector<1xi32>
    %swap3A_83 = arith.constant 12 : i32
    %swap3A_84 = arith.index_cast %swap3A_83 : i32 to index
    %swap3A_85 = memref.load %arg10[%swap3A_84] : memref<64xi32, #tpu.memory_space<smem>>
    memref.store %squeeze3A_82, %arg10[%swap3A_84] : memref<64xi32, #tpu.memory_space<smem>>
    %slice3A_86 = vector.extract_strided_slice %sub3A_23 {offsets = [13], sizes = [1], strides = [1]} : vector<16xi32> to vector<1xi32>
    %squeeze3A_87 = vector.extract %slice3A_86[0] : i32 from vector<1xi32>
    %swap3A_88 = arith.constant 13 : i32
    %swap3A_89 = arith.index_cast %swap3A_88 : i32 to index
    %swap3A_90 = memref.load %arg10[%swap3A_89] : memref<64xi32, #tpu.memory_space<smem>>
    memref.store %squeeze3A_87, %arg10[%swap3A_89] : memref<64xi32, #tpu.memory_space<smem>>
    %slice3A_91 = vector.extract_strided_slice %sub3A_23 {offsets = [14], sizes = [1], strides = [1]} : vector<16xi32> to vector<1xi32>
    %squeeze3A_92 = vector.extract %slice3A_91[0] : i32 from vector<1xi32>
    %swap3A_93 = arith.constant 14 : i32
    %swap3A_94 = arith.index_cast %swap3A_93 : i32 to index
    %swap3A_95 = memref.load %arg10[%swap3A_94] : memref<64xi32, #tpu.memory_space<smem>>
    memref.store %squeeze3A_92, %arg10[%swap3A_94] : memref<64xi32, #tpu.memory_space<smem>>
    %slice3A_96 = vector.extract_strided_slice %sub3A_23 {offsets = [15], sizes = [1], strides = [1]} : vector<16xi32> to vector<1xi32>
    %squeeze3A_97 = vector.extract %slice3A_96[0] : i32 from vector<1xi32>
    %swap3A_98 = arith.constant 15 : i32
    %swap3A_99 = arith.index_cast %swap3A_98 : i32 to index
    %swap3A_100 = memref.load %arg10[%swap3A_99] : memref<64xi32, #tpu.memory_space<smem>>
    memref.store %squeeze3A_97, %arg10[%swap3A_99] : memref<64xi32, #tpu.memory_space<smem>>
    %get3A_101 = arith.constant 16 : index
    %get3A_102 = tpu.vector_load %arg9[%get3A_101] {strides = array<i32>} : memref<64xi32, #tpu.memory_space<vmem>>, vector<16xi32>,
    %get3A_103 = vector.shape_cast %get3A_102 : vector<16xi32> to vector<16xi32>
    %sub3A_104 = vector.broadcast %add3A_4 : i32 to vector<16xi32>
    %sub3A_105 = arith.subi %get3A_103, %sub3A_104 : vector<16xi32>
    %slice3A_106 = vector.extract_strided_slice %sub3A_105 {offsets = [0], sizes = [1], strides = [1]} : vector<16xi32> to vector<1xi32>
    %squeeze3A_107 = vector.extract %slice3A_106[0] : i32 from vector<1xi32>
    %swap3A_108 = arith.constant 16 : i32
    %swap3A_109 = arith.index_cast %swap3A_108 : i32 to index
    %swap3A_110 = memref.load %arg10[%swap3A_109] : memref<64xi32, #tpu.memory_space<smem>>
    memref.store %squeeze3A_107, %arg10[%swap3A_109] : memref<64xi32, #tpu.memory_space<smem>>
    %slice3A_111 = vector.extract_strided_slice %sub3A_105 {offsets = [1], sizes = [1], strides = [1]} : vector<16xi32> to vector<1xi32>
    %squeeze3A_112 = vector.extract %slice3A_111[0] : i32 from vector<1xi32>
    %swap3A_113 = arith.constant 17 : i32
    %swap3A_114 = arith.index_cast %swap3A_113 : i32 to index
    %swap3A_115 = memref.load %arg10[%swap3A_114] : memref<64xi32, #tpu.memory_space<smem>>
    memref.store %squeeze3A_112, %arg10[%swap3A_114] : memref<64xi32, #tpu.memory_space<smem>>
    %slice3A_116 = vector.extract_strided_slice %sub3A_105 {offsets = [2], sizes = [1], strides = [1]} : vector<16xi32> to vector<1xi32>
    %squeeze3A_117 = vector.extract %slice3A_116[0] : i32 from vector<1xi32>
    %swap3A_118 = arith.constant 18 : i32
    %swap3A_119 = arith.index_cast %swap3A_118 : i32 to index
    %swap3A_120 = memref.load %arg10[%swap3A_119] : memref<64xi32, #tpu.memory_space<smem>>
    memref.store %squeeze3A_117, %arg10[%swap3A_119] : memref<64xi32, #tpu.memory_space<smem>>
    %slice3A_121 = vector.extract_strided_slice %sub3A_105 {offsets = [3], sizes = [1], strides = [1]} : vector<16xi32> to vector<1xi32>
    %squeeze3A_122 = vector.extract %slice3A_121[0] : i32 from vector<1xi32>
    %swap3A_123 = arith.constant 19 : i32
    %swap3A_124 = arith.index_cast %swap3A_123 : i32 to index
    %swap3A_125 = memref.load %arg10[%swap3A_124] : memref<64xi32, #tpu.memory_space<smem>>
    memref.store %squeeze3A_122, %arg10[%swap3A_124] : memref<64xi32, #tpu.memory_space<smem>>
    %slice3A_126 = vector.extract_strided_slice %sub3A_105 {offsets = [4], sizes = [1], strides = [1]} : vector<16xi32> to vector<1xi32>
    %squeeze3A_127 = vector.extract %slice3A_126[0] : i32 from vector<1xi32>
    %swap3A_128 = arith.constant 20 : i32
    %swap3A_129 = arith.index_cast %swap3A_128 : i32 to index
    %swap3A_130 = memref.load %arg10[%swap3A_129] : memref<64xi32, #tpu.memory_space<smem>>
    memref.store %squeeze3A_127, %arg10[%swap3A_129] : memref<64xi32, #tpu.memory_space<smem>>
    %slice3A_131 = vector.extract_strided_slice %sub3A_105 {offsets = [5], sizes = [1], strides = [1]} : vector<16xi32> to vector<1xi32>
    %squeeze3A_132 = vector.extract %slice3A_131[0] : i32 from vector<1xi32>
    %swap3A_133 = arith.constant 21 : i32
    %swap3A_134 = arith.index_cast %swap3A_133 : i32 to index
    %swap3A_135 = memref.load %arg10[%swap3A_134] : memref<64xi32, #tpu.memory_space<smem>>
    memref.store %squeeze3A_132, %arg10[%swap3A_134] : memref<64xi32, #tpu.memory_space<smem>>
    %slice3A_136 = vector.extract_strided_slice %sub3A_105 {offsets = [6], sizes = [1], strides = [1]} : vector<16xi32> to vector<1xi32>
    %squeeze3A_137 = vector.extract %slice3A_136[0] : i32 from vector<1xi32>
    %swap3A_138 = arith.constant 22 : i32
    %swap3A_139 = arith.index_cast %swap3A_138 : i32 to index
    %swap3A_140 = memref.load %arg10[%swap3A_139] : memref<64xi32, #tpu.memory_space<smem>>
    memref.store %squeeze3A_137, %arg10[%swap3A_139] : memref<64xi32, #tpu.memory_space<smem>>
    %slice3A_141 = vector.extract_strided_slice %sub3A_105 {offsets = [7], sizes = [1], strides = [1]} : vector<16xi32> to vector<1xi32>
    %squeeze3A_142 = vector.extract %slice3A_141[0] : i32 from vector<1xi32>
    %swap3A_143 = arith.constant 23 : i32
    %swap3A_144 = arith.index_cast %swap3A_143 : i32 to index
    %swap3A_145 = memref.load %arg10[%swap3A_144] : memref<64xi32, #tpu.memory_space<smem>>
    memref.store %squeeze3A_142, %arg10[%swap3A_144] : memref<64xi32, #tpu.memory_space<smem>>
    %slice3A_146 = vector.extract_strided_slice %sub3A_105 {offsets = [8], sizes = [1], strides = [1]} : vector<16xi32> to vector<1xi32>
    %squeeze3A_147 = vector.extract %slice3A_146[0] : i32 from vector<1xi32>
    %swap3A_148 = arith.constant 24 : i32
    %swap3A_149 = arith.index_cast %swap3A_148 : i32 to index
    %swap3A_150 = memref.load %arg10[%swap3A_149] : memref<64xi32, #tpu.memory_space<smem>>
    memref.store %squeeze3A_147, %arg10[%swap3A_149] : memref<64xi32, #tpu.memory_space<smem>>
    %slice3A_151 = vector.extract_strided_slice %sub3A_105 {offsets = [9], sizes = [1], strides = [1]} : vector<16xi32> to vector<1xi32>
    %squeeze3A_152 = vector.extract %slice3A_151[0] : i32 from vector<1xi32>
    %swap3A_153 = arith.constant 25 : i32
    %swap3A_154 = arith.index_cast %swap3A_153 : i32 to index
    %swap3A_155 = memref.load %arg10[%swap3A_154] : memref<64xi32, #tpu.memory_space<smem>>
    memref.store %squeeze3A_152, %arg10[%swap3A_154] : memref<64xi32, #tpu.memory_space<smem>>
    %slice3A_156 = vector.extract_strided_slice %sub3A_105 {offsets = [10], sizes = [1], strides = [1]} : vector<16xi32> to vector<1xi32>
    %squeeze3A_157 = vector.extract %slice3A_156[0] : i32 from vector<1xi32>
    %swap3A_158 = arith.constant 26 : i32
    %swap3A_159 = arith.index_cast %swap3A_158 : i32 to index
    %swap3A_160 = memref.load %arg10[%swap3A_159] : memref<64xi32, #tpu.memory_space<smem>>
    memref.store %squeeze3A_157, %arg10[%swap3A_159] : memref<64xi32, #tpu.memory_space<smem>>
    %slice3A_161 = vector.extract_strided_slice %sub3A_105 {offsets = [11], sizes = [1], strides = [1]} : vector<16xi32> to vector<1xi32>
    %squeeze3A_162 = vector.extract %slice3A_161[0] : i32 from vector<1xi32>
    %swap3A_163 = arith.constant 27 : i32
    %swap3A_164 = arith.index_cast %swap3A_163 : i32 to index
    %swap3A_165 = memref.load %arg10[%swap3A_164] : memref<64xi32, #tpu.memory_space<smem>>
    memref.store %squeeze3A_162, %arg10[%swap3A_164] : memref<64xi32, #tpu.memory_space<smem>>
    %slice3A_166 = vector.extract_strided_slice %sub3A_105 {offsets = [12], sizes = [1], strides = [1]} : vector<16xi32> to vector<1xi32>
    %squeeze3A_167 = vector.extract %slice3A_166[0] : i32 from vector<1xi32>
    %swap3A_168 = arith.constant 28 : i32
    %swap3A_169 = arith.index_cast %swap3A_168 : i32 to index
    %swap3A_170 = memref.load %arg10[%swap3A_169] : memref<64xi32, #tpu.memory_space<smem>>
    memref.store %squeeze3A_167, %arg10[%swap3A_169] : memref<64xi32, #tpu.memory_space<smem>>
    %slice3A_171 = vector.extract_strided_slice %sub3A_105 {offsets = [13], sizes = [1], strides = [1]} : vector<16xi32> to vector<1xi32>
    %squeeze3A_172 = vector.extract %slice3A_171[0] : i32 from vector<1xi32>
    %swap3A_173 = arith.constant 29 : i32
    %swap3A_174 = arith.index_cast %swap3A_173 : i32 to index
    %swap3A_175 = memref.load %arg10[%swap3A_174] : memref<64xi32, #tpu.memory_space<smem>>
    memref.store %squeeze3A_172, %arg10[%swap3A_174] : memref<64xi32, #tpu.memory_space<smem>>
    %slice3A_176 = vector.extract_strided_slice %sub3A_105 {offsets = [14], sizes = [1], strides = [1]} : vector<16xi32> to vector<1xi32>
    %squeeze3A_177 = vector.extract %slice3A_176[0] : i32 from vector<1xi32>
    %swap3A_178 = arith.constant 30 : i32
    %swap3A_179 = arith.index_cast %swap3A_178 : i32 to index
    %swap3A_180 = memref.load %arg10[%swap3A_179] : memref<64xi32, #tpu.memory_space<smem>>
    memref.store %squeeze3A_177, %arg10[%swap3A_179] : memref<64xi32, #tpu.memory_space<smem>>
    %slice3A_181 = vector.extract_strided_slice %sub3A_105 {offsets = [15], sizes = [1], strides = [1]} : vector<16xi32> to vector<1xi32>
    %squeeze3A_182 = vector.extract %slice3A_181[0] : i32 from vector<1xi32>
    %swap3A_183 = arith.constant 31 : i32
    %swap3A_184 = arith.index_cast %swap3A_183 : i32 to index
    %swap3A_185 = memref.load %arg10[%swap3A_184] : memref<64xi32, #tpu.memory_space<smem>>
    memref.store %squeeze3A_182, %arg10[%swap3A_184] : memref<64xi32, #tpu.memory_space<smem>>
    %get3A_186 = arith.constant 32 : index
    %get3A_187 = tpu.vector_load %arg9[%get3A_186] {strides = array<i32>} : memref<64xi32, #tpu.memory_space<vmem>>, vector<16xi32>,
    %get3A_188 = vector.shape_cast %get3A_187 : vector<16xi32> to vector<16xi32>
    %sub3A_189 = vector.broadcast %add3A_4 : i32 to vector<16xi32>
    %sub3A_190 = arith.subi %get3A_188, %sub3A_189 : vector<16xi32>
    %slice3A_191 = vector.extract_strided_slice %sub3A_190 {offsets = [0], sizes = [1], strides = [1]} : vector<16xi32> to vector<1xi32>
    %squeeze3A_192 = vector.extract %slice3A_191[0] : i32 from vector<1xi32>
    %swap3A_193 = arith.constant 32 : i32
    %swap3A_194 = arith.index_cast %swap3A_193 : i32 to index
    %swap3A_195 = memref.load %arg10[%swap3A_194] : memref<64xi32, #tpu.memory_space<smem>>
    memref.store %squeeze3A_192, %arg10[%swap3A_194] : memref<64xi32, #tpu.memory_space<smem>>
    %slice3A_196 = vector.extract_strided_slice %sub3A_190 {offsets = [1], sizes = [1], strides = [1]} : vector<16xi32> to vector<1xi32>
    %squeeze3A_197 = vector.extract %slice3A_196[0] : i32 from vector<1xi32>
    %swap3A_198 = arith.constant 33 : i32
    %swap3A_199 = arith.index_cast %swap3A_198 : i32 to index
    %swap3A_200 = memref.load %arg10[%swap3A_199] : memref<64xi32, #tpu.memory_space<smem>>
    memref.store %squeeze3A_197, %arg10[%swap3A_199] : memref<64xi32, #tpu.memory_space<smem>>
    %slice3A_201 = vector.extract_strided_slice %sub3A_190 {offsets = [2], sizes = [1], strides = [1]} : vector<16xi32> to vector<1xi32>
    %squeeze3A_202 = vector.extract %slice3A_201[0] : i32 from vector<1xi32>
    %swap3A_203 = arith.constant 34 : i32
    %swap3A_204 = arith.index_cast %swap3A_203 : i32 to index
    %swap3A_205 = memref.load %arg10[%swap3A_204] : memref<64xi32, #tpu.memory_space<smem>>
    memref.store %squeeze3A_202, %arg10[%swap3A_204] : memref<64xi32, #tpu.memory_space<smem>>
    %slice3A_206 = vector.extract_strided_slice %sub3A_190 {offsets = [3], sizes = [1], strides = [1]} : vector<16xi32> to vector<1xi32>
    %squeeze3A_207 = vector.extract %slice3A_206[0] : i32 from vector<1xi32>
    %swap3A_208 = arith.constant 35 : i32
    %swap3A_209 = arith.index_cast %swap3A_208 : i32 to index
    %swap3A_210 = memref.load %arg10[%swap3A_209] : memref<64xi32, #tpu.memory_space<smem>>
    memref.store %squeeze3A_207, %arg10[%swap3A_209] : memref<64xi32, #tpu.memory_space<smem>>
    %slice3A_211 = vector.extract_strided_slice %sub3A_190 {offsets = [4], sizes = [1], strides = [1]} : vector<16xi32> to vector<1xi32>
    %squeeze3A_212 = vector.extract %slice3A_211[0] : i32 from vector<1xi32>
    %swap3A_213 = arith.constant 36 : i32
    %swap3A_214 = arith.index_cast %swap3A_213 : i32 to index
    %swap3A_215 = memref.load %arg10[%swap3A_214] : memref<64xi32, #tpu.memory_space<smem>>
    memref.store %squeeze3A_212, %arg10[%swap3A_214] : memref<64xi32, #tpu.memory_space<smem>>
    %slice3A_216 = vector.extract_strided_slice %sub3A_190 {offsets = [5], sizes = [1], strides = [1]} : vector<16xi32> to vector<1xi32>
    %squeeze3A_217 = vector.extract %slice3A_216[0] : i32 from vector<1xi32>
    %swap3A_218 = arith.constant 37 : i32
    %swap3A_219 = arith.index_cast %swap3A_218 : i32 to index
    %swap3A_220 = memref.load %arg10[%swap3A_219] : memref<64xi32, #tpu.memory_space<smem>>
    memref.store %squeeze3A_217, %arg10[%swap3A_219] : memref<64xi32, #tpu.memory_space<smem>>
    %slice3A_221 = vector.extract_strided_slice %sub3A_190 {offsets = [6], sizes = [1], strides = [1]} : vector<16xi32> to vector<1xi32>
    %squeeze3A_222 = vector.extract %slice3A_221[0] : i32 from vector<1xi32>
    %swap3A_223 = arith.constant 38 : i32
    %swap3A_224 = arith.index_cast %swap3A_223 : i32 to index
    %swap3A_225 = memref.load %arg10[%swap3A_224] : memref<64xi32, #tpu.memory_space<smem>>
    memref.store %squeeze3A_222, %arg10[%swap3A_224] : memref<64xi32, #tpu.memory_space<smem>>
    %slice3A_226 = vector.extract_strided_slice %sub3A_190 {offsets = [7], sizes = [1], strides = [1]} : vector<16xi32> to vector<1xi32>
    %squeeze3A_227 = vector.extract %slice3A_226[0] : i32 from vector<1xi32>
    %swap3A_228 = arith.constant 39 : i32
    %swap3A_229 = arith.index_cast %swap3A_228 : i32 to index
    %swap3A_230 = memref.load %arg10[%swap3A_229] : memref<64xi32, #tpu.memory_space<smem>>
    memref.store %squeeze3A_227, %arg10[%swap3A_229] : memref<64xi32, #tpu.memory_space<smem>>
    %slice3A_231 = vector.extract_strided_slice %sub3A_190 {offsets = [8], sizes = [1], strides = [1]} : vector<16xi32> to vector<1xi32>
    %squeeze3A_232 = vector.extract %slice3A_231[0] : i32 from vector<1xi32>
    %swap3A_233 = arith.constant 40 : i32
    %swap3A_234 = arith.index_cast %swap3A_233 : i32 to index
    %swap3A_235 = memref.load %arg10[%swap3A_234] : memref<64xi32, #tpu.memory_space<smem>>
    memref.store %squeeze3A_232, %arg10[%swap3A_234] : memref<64xi32, #tpu.memory_space<smem>>
    %slice3A_236 = vector.extract_strided_slice %sub3A_190 {offsets = [9], sizes = [1], strides = [1]} : vector<16xi32> to vector<1xi32>
    %squeeze3A_237 = vector.extract %slice3A_236[0] : i32 from vector<1xi32>
    %swap3A_238 = arith.constant 41 : i32
    %swap3A_239 = arith.index_cast %swap3A_238 : i32 to index
    %swap3A_240 = memref.load %arg10[%swap3A_239] : memref<64xi32, #tpu.memory_space<smem>>
    memref.store %squeeze3A_237, %arg10[%swap3A_239] : memref<64xi32, #tpu.memory_space<smem>>
    %slice3A_241 = vector.extract_strided_slice %sub3A_190 {offsets = [10], sizes = [1], strides = [1]} : vector<16xi32> to vector<1xi32>
    %squeeze3A_242 = vector.extract %slice3A_241[0] : i32 from vector<1xi32>
    %swap3A_243 = arith.constant 42 : i32
    %swap3A_244 = arith.index_cast %swap3A_243 : i32 to index
    %swap3A_245 = memref.load %arg10[%swap3A_244] : memref<64xi32, #tpu.memory_space<smem>>
    memref.store %squeeze3A_242, %arg10[%swap3A_244] : memref<64xi32, #tpu.memory_space<smem>>
    %slice3A_246 = vector.extract_strided_slice %sub3A_190 {offsets = [11], sizes = [1], strides = [1]} : vector<16xi32> to vector<1xi32>
    %squeeze3A_247 = vector.extract %slice3A_246[0] : i32 from vector<1xi32>
    %swap3A_248 = arith.constant 43 : i32
    %swap3A_249 = arith.index_cast %swap3A_248 : i32 to index
    %swap3A_250 = memref.load %arg10[%swap3A_249] : memref<64xi32, #tpu.memory_space<smem>>
    memref.store %squeeze3A_247, %arg10[%swap3A_249] : memref<64xi32, #tpu.memory_space<smem>>
    %slice3A_251 = vector.extract_strided_slice %sub3A_190 {offsets = [12], sizes = [1], strides = [1]} : vector<16xi32> to vector<1xi32>
    %squeeze3A_252 = vector.extract %slice3A_251[0] : i32 from vector<1xi32>
    %swap3A_253 = arith.constant 44 : i32
    %swap3A_254 = arith.index_cast %swap3A_253 : i32 to index
    %swap3A_255 = memref.load %arg10[%swap3A_254] : memref<64xi32, #tpu.memory_space<smem>>
    memref.store %squeeze3A_252, %arg10[%swap3A_254] : memref<64xi32, #tpu.memory_space<smem>>
    %slice3A_256 = vector.extract_strided_slice %sub3A_190 {offsets = [13], sizes = [1], strides = [1]} : vector<16xi32> to vector<1xi32>
    %squeeze3A_257 = vector.extract %slice3A_256[0] : i32 from vector<1xi32>
    %swap3A_258 = arith.constant 45 : i32
    %swap3A_259 = arith.index_cast %swap3A_258 : i32 to index
    %swap3A_260 = memref.load %arg10[%swap3A_259] : memref<64xi32, #tpu.memory_space<smem>>
    memref.store %squeeze3A_257, %arg10[%swap3A_259] : memref<64xi32, #tpu.memory_space<smem>>
    %slice3A_261 = vector.extract_strided_slice %sub3A_190 {offsets = [14], sizes = [1], strides = [1]} : vector<16xi32> to vector<1xi32>
    %squeeze3A_262 = vector.extract %slice3A_261[0] : i32 from vector<1xi32>
    %swap3A_263 = arith.constant 46 : i32
    %swap3A_264 = arith.index_cast %swap3A_263 : i32 to index
    %swap3A_265 = memref.load %arg10[%swap3A_264] : memref<64xi32, #tpu.memory_space<smem>>
    memref.store %squeeze3A_262, %arg10[%swap3A_264] : memref<64xi32, #tpu.memory_space<smem>>
    %slice3A_266 = vector.extract_strided_slice %sub3A_190 {offsets = [15], sizes = [1], strides = [1]} : vector<16xi32> to vector<1xi32>
    %squeeze3A_267 = vector.extract %slice3A_266[0] : i32 from vector<1xi32>
    %swap3A_268 = arith.constant 47 : i32
    %swap3A_269 = arith.index_cast %swap3A_268 : i32 to index
    %swap3A_270 = memref.load %arg10[%swap3A_269] : memref<64xi32, #tpu.memory_space<smem>>
    memref.store %squeeze3A_267, %arg10[%swap3A_269] : memref<64xi32, #tpu.memory_space<smem>>
    %get3A_271 = arith.constant 48 : index
    %get3A_272 = tpu.vector_load %arg9[%get3A_271] {strides = array<i32>} : memref<64xi32, #tpu.memory_space<vmem>>, vector<16xi32>,
    %get3A_273 = vector.shape_cast %get3A_272 : vector<16xi32> to vector<16xi32>
    %sub3A_274 = vector.broadcast %add3A_4 : i32 to vector<16xi32>
    %sub3A_275 = arith.subi %get3A_273, %sub3A_274 : vector<16xi32>
    %slice3A_276 = vector.extract_strided_slice %sub3A_275 {offsets = [0], sizes = [1], strides = [1]} : vector<16xi32> to vector<1xi32>
    %squeeze3A_277 = vector.extract %slice3A_276[0] : i32 from vector<1xi32>
    %swap3A_278 = arith.constant 48 : i32
    %swap3A_279 = arith.index_cast %swap3A_278 : i32 to index
    %swap3A_280 = memref.load %arg10[%swap3A_279] : memref<64xi32, #tpu.memory_space<smem>>
    memref.store %squeeze3A_277, %arg10[%swap3A_279] : memref<64xi32, #tpu.memory_space<smem>>
    %slice3A_281 = vector.extract_strided_slice %sub3A_275 {offsets = [1], sizes = [1], strides = [1]} : vector<16xi32> to vector<1xi32>
    %squeeze3A_282 = vector.extract %slice3A_281[0] : i32 from vector<1xi32>
    %swap3A_283 = arith.constant 49 : i32
    %swap3A_284 = arith.index_cast %swap3A_283 : i32 to index
    %swap3A_285 = memref.load %arg10[%swap3A_284] : memref<64xi32, #tpu.memory_space<smem>>
    memref.store %squeeze3A_282, %arg10[%swap3A_284] : memref<64xi32, #tpu.memory_space<smem>>
    %slice3A_286 = vector.extract_strided_slice %sub3A_275 {offsets = [2], sizes = [1], strides = [1]} : vector<16xi32> to vector<1xi32>
    %squeeze3A_287 = vector.extract %slice3A_286[0] : i32 from vector<1xi32>
    %swap3A_288 = arith.constant 50 : i32
    %swap3A_289 = arith.index_cast %swap3A_288 : i32 to index
    %swap3A_290 = memref.load %arg10[%swap3A_289] : memref<64xi32, #tpu.memory_space<smem>>
    memref.store %squeeze3A_287, %arg10[%swap3A_289] : memref<64xi32, #tpu.memory_space<smem>>
    %slice3A_291 = vector.extract_strided_slice %sub3A_275 {offsets = [3], sizes = [1], strides = [1]} : vector<16xi32> to vector<1xi32>
    %squeeze3A_292 = vector.extract %slice3A_291[0] : i32 from vector<1xi32>
    %swap3A_293 = arith.constant 51 : i32
    %swap3A_294 = arith.index_cast %swap3A_293 : i32 to index
    %swap3A_295 = memref.load %arg10[%swap3A_294] : memref<64xi32, #tpu.memory_space<smem>>
    memref.store %squeeze3A_292, %arg10[%swap3A_294] : memref<64xi32, #tpu.memory_space<smem>>
    %slice3A_296 = vector.extract_strided_slice %sub3A_275 {offsets = [4], sizes = [1], strides = [1]} : vector<16xi32> to vector<1xi32>
    %squeeze3A_297 = vector.extract %slice3A_296[0] : i32 from vector<1xi32>
    %swap3A_298 = arith.constant 52 : i32
    %swap3A_299 = arith.index_cast %swap3A_298 : i32 to index
    %swap3A_300 = memref.load %arg10[%swap3A_299] : memref<64xi32, #tpu.memory_space<smem>>
    memref.store %squeeze3A_297, %arg10[%swap3A_299] : memref<64xi32, #tpu.memory_space<smem>>
    %slice3A_301 = vector.extract_strided_slice %sub3A_275 {offsets = [5], sizes = [1], strides = [1]} : vector<16xi32> to vector<1xi32>
    %squeeze3A_302 = vector.extract %slice3A_301[0] : i32 from vector<1xi32>
    %swap3A_303 = arith.constant 53 : i32
    %swap3A_304 = arith.index_cast %swap3A_303 : i32 to index
    %swap3A_305 = memref.load %arg10[%swap3A_304] : memref<64xi32, #tpu.memory_space<smem>>
    memref.store %squeeze3A_302, %arg10[%swap3A_304] : memref<64xi32, #tpu.memory_space<smem>>
    %slice3A_306 = vector.extract_strided_slice %sub3A_275 {offsets = [6], sizes = [1], strides = [1]} : vector<16xi32> to vector<1xi32>
    %squeeze3A_307 = vector.extract %slice3A_306[0] : i32 from vector<1xi32>
    %swap3A_308 = arith.constant 54 : i32
    %swap3A_309 = arith.index_cast %swap3A_308 : i32 to index
    %swap3A_310 = memref.load %arg10[%swap3A_309] : memref<64xi32, #tpu.memory_space<smem>>
    memref.store %squeeze3A_307, %arg10[%swap3A_309] : memref<64xi32, #tpu.memory_space<smem>>
    %slice3A_311 = vector.extract_strided_slice %sub3A_275 {offsets = [7], sizes = [1], strides = [1]} : vector<16xi32> to vector<1xi32>
    %squeeze3A_312 = vector.extract %slice3A_311[0] : i32 from vector<1xi32>
    %swap3A_313 = arith.constant 55 : i32
    %swap3A_314 = arith.index_cast %swap3A_313 : i32 to index
    %swap3A_315 = memref.load %arg10[%swap3A_314] : memref<64xi32, #tpu.memory_space<smem>>
    memref.store %squeeze3A_312, %arg10[%swap3A_314] : memref<64xi32, #tpu.memory_space<smem>>
    %slice3A_316 = vector.extract_strided_slice %sub3A_275 {offsets = [8], sizes = [1], strides = [1]} : vector<16xi32> to vector<1xi32>
    %squeeze3A_317 = vector.extract %slice3A_316[0] : i32 from vector<1xi32>
    %swap3A_318 = arith.constant 56 : i32
    %swap3A_319 = arith.index_cast %swap3A_318 : i32 to index
    %swap3A_320 = memref.load %arg10[%swap3A_319] : memref<64xi32, #tpu.memory_space<smem>>
    memref.store %squeeze3A_317, %arg10[%swap3A_319] : memref<64xi32, #tpu.memory_space<smem>>
    %slice3A_321 = vector.extract_strided_slice %sub3A_275 {offsets = [9], sizes = [1], strides = [1]} : vector<16xi32> to vector<1xi32>
    %squeeze3A_322 = vector.extract %slice3A_321[0] : i32 from vector<1xi32>
    %swap3A_323 = arith.constant 57 : i32
    %swap3A_324 = arith.index_cast %swap3A_323 : i32 to index
    %swap3A_325 = memref.load %arg10[%swap3A_324] : memref<64xi32, #tpu.memory_space<smem>>
    memref.store %squeeze3A_322, %arg10[%swap3A_324] : memref<64xi32, #tpu.memory_space<smem>>
    %slice3A_326 = vector.extract_strided_slice %sub3A_275 {offsets = [10], sizes = [1], strides = [1]} : vector<16xi32> to vector<1xi32>
    %squeeze3A_327 = vector.extract %slice3A_326[0] : i32 from vector<1xi32>
    %swap3A_328 = arith.constant 58 : i32
    %swap3A_329 = arith.index_cast %swap3A_328 : i32 to index
    %swap3A_330 = memref.load %arg10[%swap3A_329] : memref<64xi32, #tpu.memory_space<smem>>
    memref.store %squeeze3A_327, %arg10[%swap3A_329] : memref<64xi32, #tpu.memory_space<smem>>
    %slice3A_331 = vector.extract_strided_slice %sub3A_275 {offsets = [11], sizes = [1], strides = [1]} : vector<16xi32> to vector<1xi32>
    %squeeze3A_332 = vector.extract %slice3A_331[0] : i32 from vector<1xi32>
    %swap3A_333 = arith.constant 59 : i32
    %swap3A_334 = arith.index_cast %swap3A_333 : i32 to index
    %swap3A_335 = memref.load %arg10[%swap3A_334] : memref<64xi32, #tpu.memory_space<smem>>
    memref.store %squeeze3A_332, %arg10[%swap3A_334] : memref<64xi32, #tpu.memory_space<smem>>
    %slice3A_336 = vector.extract_strided_slice %sub3A_275 {offsets = [12], sizes = [1], strides = [1]} : vector<16xi32> to vector<1xi32>
    %squeeze3A_337 = vector.extract %slice3A_336[0] : i32 from vector<1xi32>
    %swap3A_338 = arith.constant 60 : i32
    %swap3A_339 = arith.index_cast %swap3A_338 : i32 to index
    %swap3A_340 = memref.load %arg10[%swap3A_339] : memref<64xi32, #tpu.memory_space<smem>>
    memref.store %squeeze3A_337, %arg10[%swap3A_339] : memref<64xi32, #tpu.memory_space<smem>>
    %slice3A_341 = vector.extract_strided_slice %sub3A_275 {offsets = [13], sizes = [1], strides = [1]} : vector<16xi32> to vector<1xi32>
    %squeeze3A_342 = vector.extract %slice3A_341[0] : i32 from vector<1xi32>
    %swap3A_343 = arith.constant 61 : i32
    %swap3A_344 = arith.index_cast %swap3A_343 : i32 to index
    %swap3A_345 = memref.load %arg10[%swap3A_344] : memref<64xi32, #tpu.memory_space<smem>>
    memref.store %squeeze3A_342, %arg10[%swap3A_344] : memref<64xi32, #tpu.memory_space<smem>>
    %slice3A_346 = vector.extract_strided_slice %sub3A_275 {offsets = [14], sizes = [1], strides = [1]} : vector<16xi32> to vector<1xi32>
    %squeeze3A_347 = vector.extract %slice3A_346[0] : i32 from vector<1xi32>
    %swap3A_348 = arith.constant 62 : i32
    %swap3A_349 = arith.index_cast %swap3A_348 : i32 to index
    %swap3A_350 = memref.load %arg10[%swap3A_349] : memref<64xi32, #tpu.memory_space<smem>>
    memref.store %squeeze3A_347, %arg10[%swap3A_349] : memref<64xi32, #tpu.memory_space<smem>>
    %slice3A_351 = vector.extract_strided_slice %sub3A_275 {offsets = [15], sizes = [1], strides = [1]} : vector<16xi32> to vector<1xi32>
    %squeeze3A_352 = vector.extract %slice3A_351[0] : i32 from vector<1xi32>
    %swap3A_353 = arith.constant 63 : i32
    %swap3A_354 = arith.index_cast %swap3A_353 : i32 to index
    %swap3A_355 = memref.load %arg10[%swap3A_354] : memref<64xi32, #tpu.memory_space<smem>>
    memref.store %squeeze3A_352, %arg10[%swap3A_354] : memref<64xi32, #tpu.memory_space<smem>>
    %add3A_356 = arith.constant 0 : i32
    %add3A_357 = arith.addi %add3A_4, %add3A_356 : i32
    %add3A_358 = arith.constant 8192 : i32
    %add3A_359 = arith.addi %add3A_358, %add3A_357 : i32
    %dma_start3A_360 = arith.constant 0 : i32
    %dma_start3A_361 = tpu.memref_slice %arg2[%add3A_359, %dma_start3A_360] : memref<16384x1024xf32, #tpu.memory_space<hbm>> -> memref<16x1024xf32, #tpu.memory_space<hbm>>
    %dma_start3A_362 = arith.constant 0 : i32
    %dma_start3A_363 = tpu.memref_slice %arg2[%add3A_359, %dma_start3A_362] : memref<16384x1024xf32, #tpu.memory_space<hbm>> -> memref<16x1024xf32, #tpu.memory_space<hbm>>
    tpu.enqueue_dma source(%dma_start3A_363 : memref<16x1024xf32, #tpu.memory_space<hbm>>) target(%arg7 : memref<16x1024xf32, #tpu.memory_space<vmem>>) target_semaphore(%arg16 : memref<!tpu.dma_semaphore, #tpu.memory_space<semaphore_mem>>)
    %dma_wait3A_364 = arith.constant 0 : i32
    %dma_wait3A_365 = tpu.memref_slice %arg2[%add3A_9, %dma_wait3A_364] : memref<16384x1024xf32, #tpu.memory_space<hbm>> -> memref<32x1024xf32, #tpu.memory_space<hbm>>
    %dma_wait3A_366 = arith.constant 0 : i32
    %dma_wait3A_367 = tpu.memref_slice %arg2[%add3A_9, %dma_wait3A_366] : memref<16384x1024xf32, #tpu.memory_space<hbm>> -> memref<32x1024xf32, #tpu.memory_space<hbm>>
    tpu.wait_dma2 semaphore(%arg11 : memref<!tpu.dma_semaphore, #tpu.memory_space<semaphore_mem>>) src(%dma_wait3A_367 : memref<32x1024xf32, #tpu.memory_space<hbm>>) dst(%arg5 : memref<32x1024xf32, #tpu.memory_space<vmem>>)
    %add3A_368 = arith.constant 16 : i32
    %add3A_369 = arith.addi %add3A_359, %add3A_368 : i32
    %dma_start3A_370 = arith.constant 0 : i32
    %dma_start3A_371 = tpu.memref_slice %arg2[%add3A_369, %dma_start3A_370] : memref<16384x1024xf32, #tpu.memory_space<hbm>> -> memref<16x1024xf32, #tpu.memory_space<hbm>>
    %dma_start3A_372 = arith.constant 0 : i32
    %dma_start3A_373 = tpu.memref_slice %arg2[%add3A_369, %dma_start3A_372] : memref<16384x1024xf32, #tpu.memory_space<hbm>> -> memref<16x1024xf32, #tpu.memory_space<hbm>>
    tpu.enqueue_dma source(%dma_start3A_373 : memref<16x1024xf32, #tpu.memory_space<hbm>>) target(%arg8 : memref<16x1024xf32, #tpu.memory_space<vmem>>) target_semaphore(%arg17 : memref<!tpu.dma_semaphore, #tpu.memory_space<semaphore_mem>>)
    %dma_wait3A_374 = arith.constant 0 : i32
    %dma_wait3A_375 = tpu.memref_slice %arg2[%add3A_359, %dma_wait3A_374] : memref<16384x1024xf32, #tpu.memory_space<hbm>> -> memref<16x1024xf32, #tpu.memory_space<hbm>>
    %dma_wait3A_376 = arith.constant 0 : i32
    %dma_wait3A_377 = tpu.memref_slice %arg2[%add3A_359, %dma_wait3A_376] : memref<16384x1024xf32, #tpu.memory_space<hbm>> -> memref<16x1024xf32, #tpu.memory_space<hbm>>
    tpu.wait_dma2 semaphore(%arg16 : memref<!tpu.dma_semaphore, #tpu.memory_space<semaphore_mem>>) src(%dma_wait3A_377 : memref<16x1024xf32, #tpu.memory_space<hbm>>) dst(%arg7 : memref<16x1024xf32, #tpu.memory_space<vmem>>)
    %parallel_loop3A = arith.constant 0 : i32
    %parallel_loop3A_378 = arith.constant 16 : i32
    %parallel_loop3A_379 = arith.constant 1 : i32
    scf.for %parallel_loop3A_439 = %parallel_loop3A to %parallel_loop3A_378 step %parallel_loop3A_379  : i32 {
      %parallel_loop3A_440 = arith.constant 0 : i32
      %parallel_loop3A_441 = arith.addi %parallel_loop3A_440, %parallel_loop3A_439 : i32
      %parallel_loop3A_442 = arith.index_cast %parallel_loop3A_441 : i32 to index
      %parallel_loop3A_443 = memref.load %arg10[%parallel_loop3A_442] : memref<64xi32, #tpu.memory_space<smem>>
      %parallel_loop3A_444 = arith.constant 0 : i32
      %parallel_loop3A_445 = arith.subi %parallel_loop3A_443, %parallel_loop3A_444 : i32
      %parallel_loop3A_446 = arith.constant 0 : i32
      %parallel_loop3A_447 = arith.constant 64 : i32
      %parallel_loop3A_448 = arith.constant 8 : i32
      scf.for %parallel_loop3A_449 = %parallel_loop3A_446 to %parallel_loop3A_447 step %parallel_loop3A_448  : i32 {
        %parallel_loop3A_450 = arith.constant 0 : i32
        %parallel_loop3A_451 = arith.addi %parallel_loop3A_449, %parallel_loop3A_450 : i32
        %parallel_loop3A_452 = arith.constant 16 : i32
        %parallel_loop3A_453 = arith.muli %parallel_loop3A_451, %parallel_loop3A_452 : i32
        %parallel_loop3A_454 = arith.constant 1 : i32
        %parallel_loop3A_455 = arith.addi %parallel_loop3A_449, %parallel_loop3A_454 : i32
        %parallel_loop3A_456 = arith.constant 16 : i32
        %parallel_loop3A_457 = arith.muli %parallel_loop3A_455, %parallel_loop3A_456 : i32
        %parallel_loop3A_458 = arith.constant 2 : i32
        %parallel_loop3A_459 = arith.addi %parallel_loop3A_449, %parallel_loop3A_458 : i32
        %parallel_loop3A_460 = arith.constant 16 : i32
        %parallel_loop3A_461 = arith.muli %parallel_loop3A_459, %parallel_loop3A_460 : i32
        %parallel_loop3A_462 = arith.constant 3 : i32
        %parallel_loop3A_463 = arith.addi %parallel_loop3A_449, %parallel_loop3A_462 : i32
        %parallel_loop3A_464 = arith.constant 16 : i32
        %parallel_loop3A_465 = arith.muli %parallel_loop3A_463, %parallel_loop3A_464 : i32
        %parallel_loop3A_466 = arith.constant 4 : i32
        %parallel_loop3A_467 = arith.addi %parallel_loop3A_449, %parallel_loop3A_466 : i32
        %parallel_loop3A_468 = arith.constant 16 : i32
        %parallel_loop3A_469 = arith.muli %parallel_loop3A_467, %parallel_loop3A_468 : i32
        %parallel_loop3A_470 = arith.constant 5 : i32
        %parallel_loop3A_471 = arith.addi %parallel_loop3A_449, %parallel_loop3A_470 : i32
        %parallel_loop3A_472 = arith.constant 16 : i32
        %parallel_loop3A_473 = arith.muli %parallel_loop3A_471, %parallel_loop3A_472 : i32
        %parallel_loop3A_474 = arith.constant 6 : i32
        %parallel_loop3A_475 = arith.addi %parallel_loop3A_449, %parallel_loop3A_474 : i32
        %parallel_loop3A_476 = arith.constant 16 : i32
        %parallel_loop3A_477 = arith.muli %parallel_loop3A_475, %parallel_loop3A_476 : i32
        %parallel_loop3A_478 = arith.constant 7 : i32
        %parallel_loop3A_479 = arith.addi %parallel_loop3A_449, %parallel_loop3A_478 : i32
        %parallel_loop3A_480 = arith.constant 16 : i32
        %parallel_loop3A_481 = arith.muli %parallel_loop3A_479, %parallel_loop3A_480 : i32
        %parallel_loop3A_482 = arith.index_cast %parallel_loop3A_439 : i32 to index
        %parallel_loop3A_483 = arith.index_cast %parallel_loop3A_453 : i32 to index
        %parallel_loop3A_484 = tpu.vector_load %arg7[%parallel_loop3A_482, %parallel_loop3A_483] {strides = array<i32>} : memref<16x1024xf32, #tpu.memory_space<vmem>>, vector<1x16xf32>,
        %parallel_loop3A_485 = vector.shape_cast %parallel_loop3A_484 : vector<1x16xf32> to vector<16xf32>
        %parallel_loop3A_486 = arith.index_cast %parallel_loop3A_439 : i32 to index
        %parallel_loop3A_487 = arith.index_cast %parallel_loop3A_457 : i32 to index
        %parallel_loop3A_488 = tpu.vector_load %arg7[%parallel_loop3A_486, %parallel_loop3A_487] {strides = array<i32>} : memref<16x1024xf32, #tpu.memory_space<vmem>>, vector<1x16xf32>,
        %parallel_loop3A_489 = vector.shape_cast %parallel_loop3A_488 : vector<1x16xf32> to vector<16xf32>
        %parallel_loop3A_490 = arith.index_cast %parallel_loop3A_439 : i32 to index
        %parallel_loop3A_491 = arith.index_cast %parallel_loop3A_461 : i32 to index
        %parallel_loop3A_492 = tpu.vector_load %arg7[%parallel_loop3A_490, %parallel_loop3A_491] {strides = array<i32>} : memref<16x1024xf32, #tpu.memory_space<vmem>>, vector<1x16xf32>,
        %parallel_loop3A_493 = vector.shape_cast %parallel_loop3A_492 : vector<1x16xf32> to vector<16xf32>
        %parallel_loop3A_494 = arith.index_cast %parallel_loop3A_439 : i32 to index
        %parallel_loop3A_495 = arith.index_cast %parallel_loop3A_465 : i32 to index
        %parallel_loop3A_496 = tpu.vector_load %arg7[%parallel_loop3A_494, %parallel_loop3A_495] {strides = array<i32>} : memref<16x1024xf32, #tpu.memory_space<vmem>>, vector<1x16xf32>,
        %parallel_loop3A_497 = vector.shape_cast %parallel_loop3A_496 : vector<1x16xf32> to vector<16xf32>
        %parallel_loop3A_498 = arith.index_cast %parallel_loop3A_439 : i32 to index
        %parallel_loop3A_499 = arith.index_cast %parallel_loop3A_469 : i32 to index
        %parallel_loop3A_500 = tpu.vector_load %arg7[%parallel_loop3A_498, %parallel_loop3A_499] {strides = array<i32>} : memref<16x1024xf32, #tpu.memory_space<vmem>>, vector<1x16xf32>,
        %parallel_loop3A_501 = vector.shape_cast %parallel_loop3A_500 : vector<1x16xf32> to vector<16xf32>
        %parallel_loop3A_502 = arith.index_cast %parallel_loop3A_439 : i32 to index
        %parallel_loop3A_503 = arith.index_cast %parallel_loop3A_473 : i32 to index
        %parallel_loop3A_504 = tpu.vector_load %arg7[%parallel_loop3A_502, %parallel_loop3A_503] {strides = array<i32>} : memref<16x1024xf32, #tpu.memory_space<vmem>>, vector<1x16xf32>,
        %parallel_loop3A_505 = vector.shape_cast %parallel_loop3A_504 : vector<1x16xf32> to vector<16xf32>
        %parallel_loop3A_506 = arith.index_cast %parallel_loop3A_439 : i32 to index
        %parallel_loop3A_507 = arith.index_cast %parallel_loop3A_477 : i32 to index
        %parallel_loop3A_508 = tpu.vector_load %arg7[%parallel_loop3A_506, %parallel_loop3A_507] {strides = array<i32>} : memref<16x1024xf32, #tpu.memory_space<vmem>>, vector<1x16xf32>,
        %parallel_loop3A_509 = vector.shape_cast %parallel_loop3A_508 : vector<1x16xf32> to vector<16xf32>
        %parallel_loop3A_510 = arith.index_cast %parallel_loop3A_439 : i32 to index
        %parallel_loop3A_511 = arith.index_cast %parallel_loop3A_481 : i32 to index
        %parallel_loop3A_512 = tpu.vector_load %arg7[%parallel_loop3A_510, %parallel_loop3A_511] {strides = array<i32>} : memref<16x1024xf32, #tpu.memory_space<vmem>>, vector<1x16xf32>,
        %parallel_loop3A_513 = vector.shape_cast %parallel_loop3A_512 : vector<1x16xf32> to vector<16xf32>
        %parallel_loop3A_514 = arith.index_cast %parallel_loop3A_445 : i32 to index
        %parallel_loop3A_515 = arith.index_cast %parallel_loop3A_453 : i32 to index
        %parallel_loop3A_516 = tpu.vector_load %arg5[%parallel_loop3A_514, %parallel_loop3A_515] {strides = array<i32>} : memref<32x1024xf32, #tpu.memory_space<vmem>>, vector<1x16xf32>,
        %parallel_loop3A_517 = vector.shape_cast %parallel_loop3A_516 : vector<1x16xf32> to vector<16xf32>
        %parallel_loop3A_518 = vector.shape_cast %parallel_loop3A_485 : vector<16xf32> to vector<1x16xf32>
        tpu.vector_store %arg5[%parallel_loop3A_514, %parallel_loop3A_515], %parallel_loop3A_518 {add = true, strides = array<i32>} : memref<32x1024xf32, #tpu.memory_space<vmem>>, vector<1x16xf32>,
        %parallel_loop3A_519 = arith.index_cast %parallel_loop3A_445 : i32 to index
        %parallel_loop3A_520 = arith.index_cast %parallel_loop3A_457 : i32 to index
        %parallel_loop3A_521 = tpu.vector_load %arg5[%parallel_loop3A_519, %parallel_loop3A_520] {strides = array<i32>} : memref<32x1024xf32, #tpu.memory_space<vmem>>, vector<1x16xf32>,
        %parallel_loop3A_522 = vector.shape_cast %parallel_loop3A_521 : vector<1x16xf32> to vector<16xf32>
        %parallel_loop3A_523 = vector.shape_cast %parallel_loop3A_489 : vector<16xf32> to vector<1x16xf32>
        tpu.vector_store %arg5[%parallel_loop3A_519, %parallel_loop3A_520], %parallel_loop3A_523 {add = true, strides = array<i32>} : memref<32x1024xf32, #tpu.memory_space<vmem>>, vector<1x16xf32>,
        %parallel_loop3A_524 = arith.index_cast %parallel_loop3A_445 : i32 to index
        %parallel_loop3A_525 = arith.index_cast %parallel_loop3A_461 : i32 to index
        %parallel_loop3A_526 = tpu.vector_load %arg5[%parallel_loop3A_524, %parallel_loop3A_525] {strides = array<i32>} : memref<32x1024xf32, #tpu.memory_space<vmem>>, vector<1x16xf32>,
        %parallel_loop3A_527 = vector.shape_cast %parallel_loop3A_526 : vector<1x16xf32> to vector<16xf32>
        %parallel_loop3A_528 = vector.shape_cast %parallel_loop3A_493 : vector<16xf32> to vector<1x16xf32>
        tpu.vector_store %arg5[%parallel_loop3A_524, %parallel_loop3A_525], %parallel_loop3A_528 {add = true, strides = array<i32>} : memref<32x1024xf32, #tpu.memory_space<vmem>>, vector<1x16xf32>,
        %parallel_loop3A_529 = arith.index_cast %parallel_loop3A_445 : i32 to index
        %parallel_loop3A_530 = arith.index_cast %parallel_loop3A_465 : i32 to index
        %parallel_loop3A_531 = tpu.vector_load %arg5[%parallel_loop3A_529, %parallel_loop3A_530] {strides = array<i32>} : memref<32x1024xf32, #tpu.memory_space<vmem>>, vector<1x16xf32>,
        %parallel_loop3A_532 = vector.shape_cast %parallel_loop3A_531 : vector<1x16xf32> to vector<16xf32>
        %parallel_loop3A_533 = vector.shape_cast %parallel_loop3A_497 : vector<16xf32> to vector<1x16xf32>
        tpu.vector_store %arg5[%parallel_loop3A_529, %parallel_loop3A_530], %parallel_loop3A_533 {add = true, strides = array<i32>} : memref<32x1024xf32, #tpu.memory_space<vmem>>, vector<1x16xf32>,
        %parallel_loop3A_534 = arith.index_cast %parallel_loop3A_445 : i32 to index
        %parallel_loop3A_535 = arith.index_cast %parallel_loop3A_469 : i32 to index
        %parallel_loop3A_536 = tpu.vector_load %arg5[%parallel_loop3A_534, %parallel_loop3A_535] {strides = array<i32>} : memref<32x1024xf32, #tpu.memory_space<vmem>>, vector<1x16xf32>,
        %parallel_loop3A_537 = vector.shape_cast %parallel_loop3A_536 : vector<1x16xf32> to vector<16xf32>
        %parallel_loop3A_538 = vector.shape_cast %parallel_loop3A_501 : vector<16xf32> to vector<1x16xf32>
        tpu.vector_store %arg5[%parallel_loop3A_534, %parallel_loop3A_535], %parallel_loop3A_538 {add = true, strides = array<i32>} : memref<32x1024xf32, #tpu.memory_space<vmem>>, vector<1x16xf32>,
        %parallel_loop3A_539 = arith.index_cast %parallel_loop3A_445 : i32 to index
        %parallel_loop3A_540 = arith.index_cast %parallel_loop3A_473 : i32 to index
        %parallel_loop3A_541 = tpu.vector_load %arg5[%parallel_loop3A_539, %parallel_loop3A_540] {strides = array<i32>} : memref<32x1024xf32, #tpu.memory_space<vmem>>, vector<1x16xf32>,
        %parallel_loop3A_542 = vector.shape_cast %parallel_loop3A_541 : vector<1x16xf32> to vector<16xf32>
        %parallel_loop3A_543 = vector.shape_cast %parallel_loop3A_505 : vector<16xf32> to vector<1x16xf32>
        tpu.vector_store %arg5[%parallel_loop3A_539, %parallel_loop3A_540], %parallel_loop3A_543 {add = true, strides = array<i32>} : memref<32x1024xf32, #tpu.memory_space<vmem>>, vector<1x16xf32>,
        %parallel_loop3A_544 = arith.index_cast %parallel_loop3A_445 : i32 to index
        %parallel_loop3A_545 = arith.index_cast %parallel_loop3A_477 : i32 to index
        %parallel_loop3A_546 = tpu.vector_load %arg5[%parallel_loop3A_544, %parallel_loop3A_545] {strides = array<i32>} : memref<32x1024xf32, #tpu.memory_space<vmem>>, vector<1x16xf32>,
        %parallel_loop3A_547 = vector.shape_cast %parallel_loop3A_546 : vector<1x16xf32> to vector<16xf32>
        %parallel_loop3A_548 = vector.shape_cast %parallel_loop3A_509 : vector<16xf32> to vector<1x16xf32>
        tpu.vector_store %arg5[%parallel_loop3A_544, %parallel_loop3A_545], %parallel_loop3A_548 {add = true, strides = array<i32>} : memref<32x1024xf32, #tpu.memory_space<vmem>>, vector<1x16xf32>,
        %parallel_loop3A_549 = arith.index_cast %parallel_loop3A_445 : i32 to index
        %parallel_loop3A_550 = arith.index_cast %parallel_loop3A_481 : i32 to index
        %parallel_loop3A_551 = tpu.vector_load %arg5[%parallel_loop3A_549, %parallel_loop3A_550] {strides = array<i32>} : memref<32x1024xf32, #tpu.memory_space<vmem>>, vector<1x16xf32>,
        %parallel_loop3A_552 = vector.shape_cast %parallel_loop3A_551 : vector<1x16xf32> to vector<16xf32>
        %parallel_loop3A_553 = vector.shape_cast %parallel_loop3A_513 : vector<16xf32> to vector<1x16xf32>
        tpu.vector_store %arg5[%parallel_loop3A_549, %parallel_loop3A_550], %parallel_loop3A_553 {add = true, strides = array<i32>} : memref<32x1024xf32, #tpu.memory_space<vmem>>, vector<1x16xf32>,
      } {sc.loop_unroll_factor = 1 : i64, sc.parallel_access}
    } {sc.loop_unroll_factor = 1 : i64, sc.parallel_access}
    %dma_wait3A_380 = arith.constant 0 : i32
    %dma_wait3A_381 = tpu.memref_slice %arg2[%add3A_369, %dma_wait3A_380] : memref<16384x1024xf32, #tpu.memory_space<hbm>> -> memref<16x1024xf32, #tpu.memory_space<hbm>>
    %dma_wait3A_382 = arith.constant 0 : i32
    %dma_wait3A_383 = tpu.memref_slice %arg2[%add3A_369, %dma_wait3A_382] : memref<16384x1024xf32, #tpu.memory_space<hbm>> -> memref<16x1024xf32, #tpu.memory_space<hbm>>
    tpu.wait_dma2 semaphore(%arg17 : memref<!tpu.dma_semaphore, #tpu.memory_space<semaphore_mem>>) src(%dma_wait3A_383 : memref<16x1024xf32, #tpu.memory_space<hbm>>) dst(%arg8 : memref<16x1024xf32, #tpu.memory_space<vmem>>)
    %parallel_loop3A_384 = arith.constant 0 : i32
    %parallel_loop3A_385 = arith.constant 16 : i32
    %parallel_loop3A_386 = arith.constant 1 : i32
    scf.for %parallel_loop3A_439 = %parallel_loop3A_384 to %parallel_loop3A_385 step %parallel_loop3A_386  : i32 {
      %parallel_loop3A_440 = arith.constant 16 : i32
      %parallel_loop3A_441 = arith.addi %parallel_loop3A_440, %parallel_loop3A_439 : i32
      %parallel_loop3A_442 = arith.index_cast %parallel_loop3A_441 : i32 to index
      %parallel_loop3A_443 = memref.load %arg10[%parallel_loop3A_442] : memref<64xi32, #tpu.memory_space<smem>>
      %parallel_loop3A_444 = arith.constant 0 : i32
      %parallel_loop3A_445 = arith.subi %parallel_loop3A_443, %parallel_loop3A_444 : i32
      %parallel_loop3A_446 = arith.constant 0 : i32
      %parallel_loop3A_447 = arith.constant 64 : i32
      %parallel_loop3A_448 = arith.constant 8 : i32
      scf.for %parallel_loop3A_449 = %parallel_loop3A_446 to %parallel_loop3A_447 step %parallel_loop3A_448  : i32 {
        %parallel_loop3A_450 = arith.constant 0 : i32
        %parallel_loop3A_451 = arith.addi %parallel_loop3A_449, %parallel_loop3A_450 : i32
        %parallel_loop3A_452 = arith.constant 16 : i32
        %parallel_loop3A_453 = arith.muli %parallel_loop3A_451, %parallel_loop3A_452 : i32
        %parallel_loop3A_454 = arith.constant 1 : i32
        %parallel_loop3A_455 = arith.addi %parallel_loop3A_449, %parallel_loop3A_454 : i32
        %parallel_loop3A_456 = arith.constant 16 : i32
        %parallel_loop3A_457 = arith.muli %parallel_loop3A_455, %parallel_loop3A_456 : i32
        %parallel_loop3A_458 = arith.constant 2 : i32
        %parallel_loop3A_459 = arith.addi %parallel_loop3A_449, %parallel_loop3A_458 : i32
        %parallel_loop3A_460 = arith.constant 16 : i32
        %parallel_loop3A_461 = arith.muli %parallel_loop3A_459, %parallel_loop3A_460 : i32
        %parallel_loop3A_462 = arith.constant 3 : i32
        %parallel_loop3A_463 = arith.addi %parallel_loop3A_449, %parallel_loop3A_462 : i32
        %parallel_loop3A_464 = arith.constant 16 : i32
        %parallel_loop3A_465 = arith.muli %parallel_loop3A_463, %parallel_loop3A_464 : i32
        %parallel_loop3A_466 = arith.constant 4 : i32
        %parallel_loop3A_467 = arith.addi %parallel_loop3A_449, %parallel_loop3A_466 : i32
        %parallel_loop3A_468 = arith.constant 16 : i32
        %parallel_loop3A_469 = arith.muli %parallel_loop3A_467, %parallel_loop3A_468 : i32
        %parallel_loop3A_470 = arith.constant 5 : i32
        %parallel_loop3A_471 = arith.addi %parallel_loop3A_449, %parallel_loop3A_470 : i32
        %parallel_loop3A_472 = arith.constant 16 : i32
        %parallel_loop3A_473 = arith.muli %parallel_loop3A_471, %parallel_loop3A_472 : i32
        %parallel_loop3A_474 = arith.constant 6 : i32
        %parallel_loop3A_475 = arith.addi %parallel_loop3A_449, %parallel_loop3A_474 : i32
        %parallel_loop3A_476 = arith.constant 16 : i32
        %parallel_loop3A_477 = arith.muli %parallel_loop3A_475, %parallel_loop3A_476 : i32
        %parallel_loop3A_478 = arith.constant 7 : i32
        %parallel_loop3A_479 = arith.addi %parallel_loop3A_449, %parallel_loop3A_478 : i32
        %parallel_loop3A_480 = arith.constant 16 : i32
        %parallel_loop3A_481 = arith.muli %parallel_loop3A_479, %parallel_loop3A_480 : i32
        %parallel_loop3A_482 = arith.index_cast %parallel_loop3A_439 : i32 to index
        %parallel_loop3A_483 = arith.index_cast %parallel_loop3A_453 : i32 to index
        %parallel_loop3A_484 = tpu.vector_load %arg8[%parallel_loop3A_482, %parallel_loop3A_483] {strides = array<i32>} : memref<16x1024xf32, #tpu.memory_space<vmem>>, vector<1x16xf32>,
        %parallel_loop3A_485 = vector.shape_cast %parallel_loop3A_484 : vector<1x16xf32> to vector<16xf32>
        %parallel_loop3A_486 = arith.index_cast %parallel_loop3A_439 : i32 to index
        %parallel_loop3A_487 = arith.index_cast %parallel_loop3A_457 : i32 to index
        %parallel_loop3A_488 = tpu.vector_load %arg8[%parallel_loop3A_486, %parallel_loop3A_487] {strides = array<i32>} : memref<16x1024xf32, #tpu.memory_space<vmem>>, vector<1x16xf32>,
        %parallel_loop3A_489 = vector.shape_cast %parallel_loop3A_488 : vector<1x16xf32> to vector<16xf32>
        %parallel_loop3A_490 = arith.index_cast %parallel_loop3A_439 : i32 to index
        %parallel_loop3A_491 = arith.index_cast %parallel_loop3A_461 : i32 to index
        %parallel_loop3A_492 = tpu.vector_load %arg8[%parallel_loop3A_490, %parallel_loop3A_491] {strides = array<i32>} : memref<16x1024xf32, #tpu.memory_space<vmem>>, vector<1x16xf32>,
        %parallel_loop3A_493 = vector.shape_cast %parallel_loop3A_492 : vector<1x16xf32> to vector<16xf32>
        %parallel_loop3A_494 = arith.index_cast %parallel_loop3A_439 : i32 to index
        %parallel_loop3A_495 = arith.index_cast %parallel_loop3A_465 : i32 to index
        %parallel_loop3A_496 = tpu.vector_load %arg8[%parallel_loop3A_494, %parallel_loop3A_495] {strides = array<i32>} : memref<16x1024xf32, #tpu.memory_space<vmem>>, vector<1x16xf32>,
        %parallel_loop3A_497 = vector.shape_cast %parallel_loop3A_496 : vector<1x16xf32> to vector<16xf32>
        %parallel_loop3A_498 = arith.index_cast %parallel_loop3A_439 : i32 to index
        %parallel_loop3A_499 = arith.index_cast %parallel_loop3A_469 : i32 to index
        %parallel_loop3A_500 = tpu.vector_load %arg8[%parallel_loop3A_498, %parallel_loop3A_499] {strides = array<i32>} : memref<16x1024xf32, #tpu.memory_space<vmem>>, vector<1x16xf32>,
        %parallel_loop3A_501 = vector.shape_cast %parallel_loop3A_500 : vector<1x16xf32> to vector<16xf32>
        %parallel_loop3A_502 = arith.index_cast %parallel_loop3A_439 : i32 to index
        %parallel_loop3A_503 = arith.index_cast %parallel_loop3A_473 : i32 to index
        %parallel_loop3A_504 = tpu.vector_load %arg8[%parallel_loop3A_502, %parallel_loop3A_503] {strides = array<i32>} : memref<16x1024xf32, #tpu.memory_space<vmem>>, vector<1x16xf32>,
        %parallel_loop3A_505 = vector.shape_cast %parallel_loop3A_504 : vector<1x16xf32> to vector<16xf32>
        %parallel_loop3A_506 = arith.index_cast %parallel_loop3A_439 : i32 to index
        %parallel_loop3A_507 = arith.index_cast %parallel_loop3A_477 : i32 to index
        %parallel_loop3A_508 = tpu.vector_load %arg8[%parallel_loop3A_506, %parallel_loop3A_507] {strides = array<i32>} : memref<16x1024xf32, #tpu.memory_space<vmem>>, vector<1x16xf32>,
        %parallel_loop3A_509 = vector.shape_cast %parallel_loop3A_508 : vector<1x16xf32> to vector<16xf32>
        %parallel_loop3A_510 = arith.index_cast %parallel_loop3A_439 : i32 to index
        %parallel_loop3A_511 = arith.index_cast %parallel_loop3A_481 : i32 to index
        %parallel_loop3A_512 = tpu.vector_load %arg8[%parallel_loop3A_510, %parallel_loop3A_511] {strides = array<i32>} : memref<16x1024xf32, #tpu.memory_space<vmem>>, vector<1x16xf32>,
        %parallel_loop3A_513 = vector.shape_cast %parallel_loop3A_512 : vector<1x16xf32> to vector<16xf32>
        %parallel_loop3A_514 = arith.index_cast %parallel_loop3A_445 : i32 to index
        %parallel_loop3A_515 = arith.index_cast %parallel_loop3A_453 : i32 to index
        %parallel_loop3A_516 = tpu.vector_load %arg5[%parallel_loop3A_514, %parallel_loop3A_515] {strides = array<i32>} : memref<32x1024xf32, #tpu.memory_space<vmem>>, vector<1x16xf32>,
        %parallel_loop3A_517 = vector.shape_cast %parallel_loop3A_516 : vector<1x16xf32> to vector<16xf32>
        %parallel_loop3A_518 = vector.shape_cast %parallel_loop3A_485 : vector<16xf32> to vector<1x16xf32>
        tpu.vector_store %arg5[%parallel_loop3A_514, %parallel_loop3A_515], %parallel_loop3A_518 {add = true, strides = array<i32>} : memref<32x1024xf32, #tpu.memory_space<vmem>>, vector<1x16xf32>,
        %parallel_loop3A_519 = arith.index_cast %parallel_loop3A_445 : i32 to index
        %parallel_loop3A_520 = arith.index_cast %parallel_loop3A_457 : i32 to index
        %parallel_loop3A_521 = tpu.vector_load %arg5[%parallel_loop3A_519, %parallel_loop3A_520] {strides = array<i32>} : memref<32x1024xf32, #tpu.memory_space<vmem>>, vector<1x16xf32>,
        %parallel_loop3A_522 = vector.shape_cast %parallel_loop3A_521 : vector<1x16xf32> to vector<16xf32>
        %parallel_loop3A_523 = vector.shape_cast %parallel_loop3A_489 : vector<16xf32> to vector<1x16xf32>
        tpu.vector_store %arg5[%parallel_loop3A_519, %parallel_loop3A_520], %parallel_loop3A_523 {add = true, strides = array<i32>} : memref<32x1024xf32, #tpu.memory_space<vmem>>, vector<1x16xf32>,
        %parallel_loop3A_524 = arith.index_cast %parallel_loop3A_445 : i32 to index
        %parallel_loop3A_525 = arith.index_cast %parallel_loop3A_461 : i32 to index
        %parallel_loop3A_526 = tpu.vector_load %arg5[%parallel_loop3A_524, %parallel_loop3A_525] {strides = array<i32>} : memref<32x1024xf32, #tpu.memory_space<vmem>>, vector<1x16xf32>,
        %parallel_loop3A_527 = vector.shape_cast %parallel_loop3A_526 : vector<1x16xf32> to vector<16xf32>
        %parallel_loop3A_528 = vector.shape_cast %parallel_loop3A_493 : vector<16xf32> to vector<1x16xf32>
        tpu.vector_store %arg5[%parallel_loop3A_524, %parallel_loop3A_525], %parallel_loop3A_528 {add = true, strides = array<i32>} : memref<32x1024xf32, #tpu.memory_space<vmem>>, vector<1x16xf32>,
        %parallel_loop3A_529 = arith.index_cast %parallel_loop3A_445 : i32 to index
        %parallel_loop3A_530 = arith.index_cast %parallel_loop3A_465 : i32 to index
        %parallel_loop3A_531 = tpu.vector_load %arg5[%parallel_loop3A_529, %parallel_loop3A_530] {strides = array<i32>} : memref<32x1024xf32, #tpu.memory_space<vmem>>, vector<1x16xf32>,
        %parallel_loop3A_532 = vector.shape_cast %parallel_loop3A_531 : vector<1x16xf32> to vector<16xf32>
        %parallel_loop3A_533 = vector.shape_cast %parallel_loop3A_497 : vector<16xf32> to vector<1x16xf32>
        tpu.vector_store %arg5[%parallel_loop3A_529, %parallel_loop3A_530], %parallel_loop3A_533 {add = true, strides = array<i32>} : memref<32x1024xf32, #tpu.memory_space<vmem>>, vector<1x16xf32>,
        %parallel_loop3A_534 = arith.index_cast %parallel_loop3A_445 : i32 to index
        %parallel_loop3A_535 = arith.index_cast %parallel_loop3A_469 : i32 to index
        %parallel_loop3A_536 = tpu.vector_load %arg5[%parallel_loop3A_534, %parallel_loop3A_535] {strides = array<i32>} : memref<32x1024xf32, #tpu.memory_space<vmem>>, vector<1x16xf32>,
        %parallel_loop3A_537 = vector.shape_cast %parallel_loop3A_536 : vector<1x16xf32> to vector<16xf32>
        %parallel_loop3A_538 = vector.shape_cast %parallel_loop3A_501 : vector<16xf32> to vector<1x16xf32>
        tpu.vector_store %arg5[%parallel_loop3A_534, %parallel_loop3A_535], %parallel_loop3A_538 {add = true, strides = array<i32>} : memref<32x1024xf32, #tpu.memory_space<vmem>>, vector<1x16xf32>,
        %parallel_loop3A_539 = arith.index_cast %parallel_loop3A_445 : i32 to index
        %parallel_loop3A_540 = arith.index_cast %parallel_loop3A_473 : i32 to index
        %parallel_loop3A_541 = tpu.vector_load %arg5[%parallel_loop3A_539, %parallel_loop3A_540] {strides = array<i32>} : memref<32x1024xf32, #tpu.memory_space<vmem>>, vector<1x16xf32>,
        %parallel_loop3A_542 = vector.shape_cast %parallel_loop3A_541 : vector<1x16xf32> to vector<16xf32>
        %parallel_loop3A_543 = vector.shape_cast %parallel_loop3A_505 : vector<16xf32> to vector<1x16xf32>
        tpu.vector_store %arg5[%parallel_loop3A_539, %parallel_loop3A_540], %parallel_loop3A_543 {add = true, strides = array<i32>} : memref<32x1024xf32, #tpu.memory_space<vmem>>, vector<1x16xf32>,
        %parallel_loop3A_544 = arith.index_cast %parallel_loop3A_445 : i32 to index
        %parallel_loop3A_545 = arith.index_cast %parallel_loop3A_477 : i32 to index
        %parallel_loop3A_546 = tpu.vector_load %arg5[%parallel_loop3A_544, %parallel_loop3A_545] {strides = array<i32>} : memref<32x1024xf32, #tpu.memory_space<vmem>>, vector<1x16xf32>,
        %parallel_loop3A_547 = vector.shape_cast %parallel_loop3A_546 : vector<1x16xf32> to vector<16xf32>
        %parallel_loop3A_548 = vector.shape_cast %parallel_loop3A_509 : vector<16xf32> to vector<1x16xf32>
        tpu.vector_store %arg5[%parallel_loop3A_544, %parallel_loop3A_545], %parallel_loop3A_548 {add = true, strides = array<i32>} : memref<32x1024xf32, #tpu.memory_space<vmem>>, vector<1x16xf32>,
        %parallel_loop3A_549 = arith.index_cast %parallel_loop3A_445 : i32 to index
        %parallel_loop3A_550 = arith.index_cast %parallel_loop3A_481 : i32 to index
        %parallel_loop3A_551 = tpu.vector_load %arg5[%parallel_loop3A_549, %parallel_loop3A_550] {strides = array<i32>} : memref<32x1024xf32, #tpu.memory_space<vmem>>, vector<1x16xf32>,
        %parallel_loop3A_552 = vector.shape_cast %parallel_loop3A_551 : vector<1x16xf32> to vector<16xf32>
        %parallel_loop3A_553 = vector.shape_cast %parallel_loop3A_513 : vector<16xf32> to vector<1x16xf32>
        tpu.vector_store %arg5[%parallel_loop3A_549, %parallel_loop3A_550], %parallel_loop3A_553 {add = true, strides = array<i32>} : memref<32x1024xf32, #tpu.memory_space<vmem>>, vector<1x16xf32>,
      } {sc.loop_unroll_factor = 1 : i64, sc.parallel_access}
    } {sc.loop_unroll_factor = 1 : i64, sc.parallel_access}
    %sub3A_387 = arith.constant 6144 : i32
    %sub3A_388 = arith.subi %add3A_357, %sub3A_387 : i32
    %dma_start3A_389 = arith.constant 0 : i32
    %dma_start3A_390 = tpu.memref_slice %arg4[%sub3A_388, %dma_start3A_389] : memref<2048x1024xf32, #tpu.memory_space<hbm>> -> memref<32x1024xf32, #tpu.memory_space<hbm>>
    %dma_start3A_391 = arith.constant 0 : i32
    %dma_start3A_392 = tpu.memref_slice %arg4[%sub3A_388, %dma_start3A_391] : memref<2048x1024xf32, #tpu.memory_space<hbm>> -> memref<32x1024xf32, #tpu.memory_space<hbm>>
    tpu.enqueue_dma source(%arg5 : memref<32x1024xf32, #tpu.memory_space<vmem>>) target(%dma_start3A_392 : memref<32x1024xf32, #tpu.memory_space<hbm>>) target_semaphore(%arg13 : memref<!tpu.dma_semaphore, #tpu.memory_space<semaphore_mem>>)
    %add3A_393 = arith.constant 32 : i32
    %add3A_394 = arith.addi %add3A_4, %add3A_393 : i32
    %add3A_395 = arith.constant 8192 : i32
    %add3A_396 = arith.addi %add3A_395, %add3A_394 : i32
    %dma_start3A_397 = arith.constant 0 : i32
    %dma_start3A_398 = tpu.memref_slice %arg2[%add3A_396, %dma_start3A_397] : memref<16384x1024xf32, #tpu.memory_space<hbm>> -> memref<16x1024xf32, #tpu.memory_space<hbm>>
    %dma_start3A_399 = arith.constant 0 : i32
    %dma_start3A_400 = tpu.memref_slice %arg2[%add3A_396, %dma_start3A_399] : memref<16384x1024xf32, #tpu.memory_space<hbm>> -> memref<16x1024xf32, #tpu.memory_space<hbm>>
    tpu.enqueue_dma source(%dma_start3A_400 : memref<16x1024xf32, #tpu.memory_space<hbm>>) target(%arg7 : memref<16x1024xf32, #tpu.memory_space<vmem>>) target_semaphore(%arg16 : memref<!tpu.dma_semaphore, #tpu.memory_space<semaphore_mem>>)
    %dma_wait3A_401 = arith.constant 0 : i32
    %dma_wait3A_402 = tpu.memref_slice %arg2[%add3A_15, %dma_wait3A_401] : memref<16384x1024xf32, #tpu.memory_space<hbm>> -> memref<32x1024xf32, #tpu.memory_space<hbm>>
    %dma_wait3A_403 = arith.constant 0 : i32
    %dma_wait3A_404 = tpu.memref_slice %arg2[%add3A_15, %dma_wait3A_403] : memref<16384x1024xf32, #tpu.memory_space<hbm>> -> memref<32x1024xf32, #tpu.memory_space<hbm>>
    tpu.wait_dma2 semaphore(%arg12 : memref<!tpu.dma_semaphore, #tpu.memory_space<semaphore_mem>>) src(%dma_wait3A_404 : memref<32x1024xf32, #tpu.memory_space<hbm>>) dst(%arg6 : memref<32x1024xf32, #tpu.memory_space<vmem>>)
    %add3A_405 = arith.constant 16 : i32
    %add3A_406 = arith.addi %add3A_396, %add3A_405 : i32
    %dma_start3A_407 = arith.constant 0 : i32
    %dma_start3A_408 = tpu.memref_slice %arg2[%add3A_406, %dma_start3A_407] : memref<16384x1024xf32, #tpu.memory_space<hbm>> -> memref<16x1024xf32, #tpu.memory_space<hbm>>
    %dma_start3A_409 = arith.constant 0 : i32
    %dma_start3A_410 = tpu.memref_slice %arg2[%add3A_406, %dma_start3A_409] : memref<16384x1024xf32, #tpu.memory_space<hbm>> -> memref<16x1024xf32, #tpu.memory_space<hbm>>
    tpu.enqueue_dma source(%dma_start3A_410 : memref<16x1024xf32, #tpu.memory_space<hbm>>) target(%arg8 : memref<16x1024xf32, #tpu.memory_space<vmem>>) target_semaphore(%arg17 : memref<!tpu.dma_semaphore, #tpu.memory_space<semaphore_mem>>)
    %dma_wait3A_411 = arith.constant 0 : i32
    %dma_wait3A_412 = tpu.memref_slice %arg2[%add3A_396, %dma_wait3A_411] : memref<16384x1024xf32, #tpu.memory_space<hbm>> -> memref<16x1024xf32, #tpu.memory_space<hbm>>
    %dma_wait3A_413 = arith.constant 0 : i32
    %dma_wait3A_414 = tpu.memref_slice %arg2[%add3A_396, %dma_wait3A_413] : memref<16384x1024xf32, #tpu.memory_space<hbm>> -> memref<16x1024xf32, #tpu.memory_space<hbm>>
    tpu.wait_dma2 semaphore(%arg16 : memref<!tpu.dma_semaphore, #tpu.memory_space<semaphore_mem>>) src(%dma_wait3A_414 : memref<16x1024xf32, #tpu.memory_space<hbm>>) dst(%arg7 : memref<16x1024xf32, #tpu.memory_space<vmem>>)
    %parallel_loop3A_415 = arith.constant 0 : i32
    %parallel_loop3A_416 = arith.constant 16 : i32
    %parallel_loop3A_417 = arith.constant 1 : i32
    scf.for %parallel_loop3A_439 = %parallel_loop3A_415 to %parallel_loop3A_416 step %parallel_loop3A_417  : i32 {
      %parallel_loop3A_440 = arith.constant 32 : i32
      %parallel_loop3A_441 = arith.addi %parallel_loop3A_440, %parallel_loop3A_439 : i32
      %parallel_loop3A_442 = arith.index_cast %parallel_loop3A_441 : i32 to index
      %parallel_loop3A_443 = memref.load %arg10[%parallel_loop3A_442] : memref<64xi32, #tpu.memory_space<smem>>
      %parallel_loop3A_444 = arith.constant 32 : i32
      %parallel_loop3A_445 = arith.subi %parallel_loop3A_443, %parallel_loop3A_444 : i32
      %parallel_loop3A_446 = arith.constant 0 : i32
      %parallel_loop3A_447 = arith.constant 64 : i32
      %parallel_loop3A_448 = arith.constant 8 : i32
      scf.for %parallel_loop3A_449 = %parallel_loop3A_446 to %parallel_loop3A_447 step %parallel_loop3A_448  : i32 {
        %parallel_loop3A_450 = arith.constant 0 : i32
        %parallel_loop3A_451 = arith.addi %parallel_loop3A_449, %parallel_loop3A_450 : i32
        %parallel_loop3A_452 = arith.constant 16 : i32
        %parallel_loop3A_453 = arith.muli %parallel_loop3A_451, %parallel_loop3A_452 : i32
        %parallel_loop3A_454 = arith.constant 1 : i32
        %parallel_loop3A_455 = arith.addi %parallel_loop3A_449, %parallel_loop3A_454 : i32
        %parallel_loop3A_456 = arith.constant 16 : i32
        %parallel_loop3A_457 = arith.muli %parallel_loop3A_455, %parallel_loop3A_456 : i32
        %parallel_loop3A_458 = arith.constant 2 : i32
        %parallel_loop3A_459 = arith.addi %parallel_loop3A_449, %parallel_loop3A_458 : i32
        %parallel_loop3A_460 = arith.constant 16 : i32
        %parallel_loop3A_461 = arith.muli %parallel_loop3A_459, %parallel_loop3A_460 : i32
        %parallel_loop3A_462 = arith.constant 3 : i32
        %parallel_loop3A_463 = arith.addi %parallel_loop3A_449, %parallel_loop3A_462 : i32
        %parallel_loop3A_464 = arith.constant 16 : i32
        %parallel_loop3A_465 = arith.muli %parallel_loop3A_463, %parallel_loop3A_464 : i32
        %parallel_loop3A_466 = arith.constant 4 : i32
        %parallel_loop3A_467 = arith.addi %parallel_loop3A_449, %parallel_loop3A_466 : i32
        %parallel_loop3A_468 = arith.constant 16 : i32
        %parallel_loop3A_469 = arith.muli %parallel_loop3A_467, %parallel_loop3A_468 : i32
        %parallel_loop3A_470 = arith.constant 5 : i32
        %parallel_loop3A_471 = arith.addi %parallel_loop3A_449, %parallel_loop3A_470 : i32
        %parallel_loop3A_472 = arith.constant 16 : i32
        %parallel_loop3A_473 = arith.muli %parallel_loop3A_471, %parallel_loop3A_472 : i32
        %parallel_loop3A_474 = arith.constant 6 : i32
        %parallel_loop3A_475 = arith.addi %parallel_loop3A_449, %parallel_loop3A_474 : i32
        %parallel_loop3A_476 = arith.constant 16 : i32
        %parallel_loop3A_477 = arith.muli %parallel_loop3A_475, %parallel_loop3A_476 : i32
        %parallel_loop3A_478 = arith.constant 7 : i32
        %parallel_loop3A_479 = arith.addi %parallel_loop3A_449, %parallel_loop3A_478 : i32
        %parallel_loop3A_480 = arith.constant 16 : i32
        %parallel_loop3A_481 = arith.muli %parallel_loop3A_479, %parallel_loop3A_480 : i32
        %parallel_loop3A_482 = arith.index_cast %parallel_loop3A_439 : i32 to index
        %parallel_loop3A_483 = arith.index_cast %parallel_loop3A_453 : i32 to index
        %parallel_loop3A_484 = tpu.vector_load %arg7[%parallel_loop3A_482, %parallel_loop3A_483] {strides = array<i32>} : memref<16x1024xf32, #tpu.memory_space<vmem>>, vector<1x16xf32>,
        %parallel_loop3A_485 = vector.shape_cast %parallel_loop3A_484 : vector<1x16xf32> to vector<16xf32>
        %parallel_loop3A_486 = arith.index_cast %parallel_loop3A_439 : i32 to index
        %parallel_loop3A_487 = arith.index_cast %parallel_loop3A_457 : i32 to index
        %parallel_loop3A_488 = tpu.vector_load %arg7[%parallel_loop3A_486, %parallel_loop3A_487] {strides = array<i32>} : memref<16x1024xf32, #tpu.memory_space<vmem>>, vector<1x16xf32>,
        %parallel_loop3A_489 = vector.shape_cast %parallel_loop3A_488 : vector<1x16xf32> to vector<16xf32>
        %parallel_loop3A_490 = arith.index_cast %parallel_loop3A_439 : i32 to index
        %parallel_loop3A_491 = arith.index_cast %parallel_loop3A_461 : i32 to index
        %parallel_loop3A_492 = tpu.vector_load %arg7[%parallel_loop3A_490, %parallel_loop3A_491] {strides = array<i32>} : memref<16x1024xf32, #tpu.memory_space<vmem>>, vector<1x16xf32>,
        %parallel_loop3A_493 = vector.shape_cast %parallel_loop3A_492 : vector<1x16xf32> to vector<16xf32>
        %parallel_loop3A_494 = arith.index_cast %parallel_loop3A_439 : i32 to index
        %parallel_loop3A_495 = arith.index_cast %parallel_loop3A_465 : i32 to index
        %parallel_loop3A_496 = tpu.vector_load %arg7[%parallel_loop3A_494, %parallel_loop3A_495] {strides = array<i32>} : memref<16x1024xf32, #tpu.memory_space<vmem>>, vector<1x16xf32>,
        %parallel_loop3A_497 = vector.shape_cast %parallel_loop3A_496 : vector<1x16xf32> to vector<16xf32>
        %parallel_loop3A_498 = arith.index_cast %parallel_loop3A_439 : i32 to index
        %parallel_loop3A_499 = arith.index_cast %parallel_loop3A_469 : i32 to index
        %parallel_loop3A_500 = tpu.vector_load %arg7[%parallel_loop3A_498, %parallel_loop3A_499] {strides = array<i32>} : memref<16x1024xf32, #tpu.memory_space<vmem>>, vector<1x16xf32>,
        %parallel_loop3A_501 = vector.shape_cast %parallel_loop3A_500 : vector<1x16xf32> to vector<16xf32>
        %parallel_loop3A_502 = arith.index_cast %parallel_loop3A_439 : i32 to index
        %parallel_loop3A_503 = arith.index_cast %parallel_loop3A_473 : i32 to index
        %parallel_loop3A_504 = tpu.vector_load %arg7[%parallel_loop3A_502, %parallel_loop3A_503] {strides = array<i32>} : memref<16x1024xf32, #tpu.memory_space<vmem>>, vector<1x16xf32>,
        %parallel_loop3A_505 = vector.shape_cast %parallel_loop3A_504 : vector<1x16xf32> to vector<16xf32>
        %parallel_loop3A_506 = arith.index_cast %parallel_loop3A_439 : i32 to index
        %parallel_loop3A_507 = arith.index_cast %parallel_loop3A_477 : i32 to index
        %parallel_loop3A_508 = tpu.vector_load %arg7[%parallel_loop3A_506, %parallel_loop3A_507] {strides = array<i32>} : memref<16x1024xf32, #tpu.memory_space<vmem>>, vector<1x16xf32>,
        %parallel_loop3A_509 = vector.shape_cast %parallel_loop3A_508 : vector<1x16xf32> to vector<16xf32>
        %parallel_loop3A_510 = arith.index_cast %parallel_loop3A_439 : i32 to index
        %parallel_loop3A_511 = arith.index_cast %parallel_loop3A_481 : i32 to index
        %parallel_loop3A_512 = tpu.vector_load %arg7[%parallel_loop3A_510, %parallel_loop3A_511] {strides = array<i32>} : memref<16x1024xf32, #tpu.memory_space<vmem>>, vector<1x16xf32>,
        %parallel_loop3A_513 = vector.shape_cast %parallel_loop3A_512 : vector<1x16xf32> to vector<16xf32>
        %parallel_loop3A_514 = arith.index_cast %parallel_loop3A_445 : i32 to index
        %parallel_loop3A_515 = arith.index_cast %parallel_loop3A_453 : i32 to index
        %parallel_loop3A_516 = tpu.vector_load %arg6[%parallel_loop3A_514, %parallel_loop3A_515] {strides = array<i32>} : memref<32x1024xf32, #tpu.memory_space<vmem>>, vector<1x16xf32>,
        %parallel_loop3A_517 = vector.shape_cast %parallel_loop3A_516 : vector<1x16xf32> to vector<16xf32>
        %parallel_loop3A_518 = vector.shape_cast %parallel_loop3A_485 : vector<16xf32> to vector<1x16xf32>
        tpu.vector_store %arg6[%parallel_loop3A_514, %parallel_loop3A_515], %parallel_loop3A_518 {add = true, strides = array<i32>} : memref<32x1024xf32, #tpu.memory_space<vmem>>, vector<1x16xf32>,
        %parallel_loop3A_519 = arith.index_cast %parallel_loop3A_445 : i32 to index
        %parallel_loop3A_520 = arith.index_cast %parallel_loop3A_457 : i32 to index
        %parallel_loop3A_521 = tpu.vector_load %arg6[%parallel_loop3A_519, %parallel_loop3A_520] {strides = array<i32>} : memref<32x1024xf32, #tpu.memory_space<vmem>>, vector<1x16xf32>,
        %parallel_loop3A_522 = vector.shape_cast %parallel_loop3A_521 : vector<1x16xf32> to vector<16xf32>
        %parallel_loop3A_523 = vector.shape_cast %parallel_loop3A_489 : vector<16xf32> to vector<1x16xf32>
        tpu.vector_store %arg6[%parallel_loop3A_519, %parallel_loop3A_520], %parallel_loop3A_523 {add = true, strides = array<i32>} : memref<32x1024xf32, #tpu.memory_space<vmem>>, vector<1x16xf32>,
        %parallel_loop3A_524 = arith.index_cast %parallel_loop3A_445 : i32 to index
        %parallel_loop3A_525 = arith.index_cast %parallel_loop3A_461 : i32 to index
        %parallel_loop3A_526 = tpu.vector_load %arg6[%parallel_loop3A_524, %parallel_loop3A_525] {strides = array<i32>} : memref<32x1024xf32, #tpu.memory_space<vmem>>, vector<1x16xf32>,
        %parallel_loop3A_527 = vector.shape_cast %parallel_loop3A_526 : vector<1x16xf32> to vector<16xf32>
        %parallel_loop3A_528 = vector.shape_cast %parallel_loop3A_493 : vector<16xf32> to vector<1x16xf32>
        tpu.vector_store %arg6[%parallel_loop3A_524, %parallel_loop3A_525], %parallel_loop3A_528 {add = true, strides = array<i32>} : memref<32x1024xf32, #tpu.memory_space<vmem>>, vector<1x16xf32>,
        %parallel_loop3A_529 = arith.index_cast %parallel_loop3A_445 : i32 to index
        %parallel_loop3A_530 = arith.index_cast %parallel_loop3A_465 : i32 to index
        %parallel_loop3A_531 = tpu.vector_load %arg6[%parallel_loop3A_529, %parallel_loop3A_530] {strides = array<i32>} : memref<32x1024xf32, #tpu.memory_space<vmem>>, vector<1x16xf32>,
        %parallel_loop3A_532 = vector.shape_cast %parallel_loop3A_531 : vector<1x16xf32> to vector<16xf32>
        %parallel_loop3A_533 = vector.shape_cast %parallel_loop3A_497 : vector<16xf32> to vector<1x16xf32>
        tpu.vector_store %arg6[%parallel_loop3A_529, %parallel_loop3A_530], %parallel_loop3A_533 {add = true, strides = array<i32>} : memref<32x1024xf32, #tpu.memory_space<vmem>>, vector<1x16xf32>,
        %parallel_loop3A_534 = arith.index_cast %parallel_loop3A_445 : i32 to index
        %parallel_loop3A_535 = arith.index_cast %parallel_loop3A_469 : i32 to index
        %parallel_loop3A_536 = tpu.vector_load %arg6[%parallel_loop3A_534, %parallel_loop3A_535] {strides = array<i32>} : memref<32x1024xf32, #tpu.memory_space<vmem>>, vector<1x16xf32>,
        %parallel_loop3A_537 = vector.shape_cast %parallel_loop3A_536 : vector<1x16xf32> to vector<16xf32>
        %parallel_loop3A_538 = vector.shape_cast %parallel_loop3A_501 : vector<16xf32> to vector<1x16xf32>
        tpu.vector_store %arg6[%parallel_loop3A_534, %parallel_loop3A_535], %parallel_loop3A_538 {add = true, strides = array<i32>} : memref<32x1024xf32, #tpu.memory_space<vmem>>, vector<1x16xf32>,
        %parallel_loop3A_539 = arith.index_cast %parallel_loop3A_445 : i32 to index
        %parallel_loop3A_540 = arith.index_cast %parallel_loop3A_473 : i32 to index
        %parallel_loop3A_541 = tpu.vector_load %arg6[%parallel_loop3A_539, %parallel_loop3A_540] {strides = array<i32>} : memref<32x1024xf32, #tpu.memory_space<vmem>>, vector<1x16xf32>,
        %parallel_loop3A_542 = vector.shape_cast %parallel_loop3A_541 : vector<1x16xf32> to vector<16xf32>
        %parallel_loop3A_543 = vector.shape_cast %parallel_loop3A_505 : vector<16xf32> to vector<1x16xf32>
        tpu.vector_store %arg6[%parallel_loop3A_539, %parallel_loop3A_540], %parallel_loop3A_543 {add = true, strides = array<i32>} : memref<32x1024xf32, #tpu.memory_space<vmem>>, vector<1x16xf32>,
        %parallel_loop3A_544 = arith.index_cast %parallel_loop3A_445 : i32 to index
        %parallel_loop3A_545 = arith.index_cast %parallel_loop3A_477 : i32 to index
        %parallel_loop3A_546 = tpu.vector_load %arg6[%parallel_loop3A_544, %parallel_loop3A_545] {strides = array<i32>} : memref<32x1024xf32, #tpu.memory_space<vmem>>, vector<1x16xf32>,
        %parallel_loop3A_547 = vector.shape_cast %parallel_loop3A_546 : vector<1x16xf32> to vector<16xf32>
        %parallel_loop3A_548 = vector.shape_cast %parallel_loop3A_509 : vector<16xf32> to vector<1x16xf32>
        tpu.vector_store %arg6[%parallel_loop3A_544, %parallel_loop3A_545], %parallel_loop3A_548 {add = true, strides = array<i32>} : memref<32x1024xf32, #tpu.memory_space<vmem>>, vector<1x16xf32>,
        %parallel_loop3A_549 = arith.index_cast %parallel_loop3A_445 : i32 to index
        %parallel_loop3A_550 = arith.index_cast %parallel_loop3A_481 : i32 to index
        %parallel_loop3A_551 = tpu.vector_load %arg6[%parallel_loop3A_549, %parallel_loop3A_550] {strides = array<i32>} : memref<32x1024xf32, #tpu.memory_space<vmem>>, vector<1x16xf32>,
        %parallel_loop3A_552 = vector.shape_cast %parallel_loop3A_551 : vector<1x16xf32> to vector<16xf32>
        %parallel_loop3A_553 = vector.shape_cast %parallel_loop3A_513 : vector<16xf32> to vector<1x16xf32>
        tpu.vector_store %arg6[%parallel_loop3A_549, %parallel_loop3A_550], %parallel_loop3A_553 {add = true, strides = array<i32>} : memref<32x1024xf32, #tpu.memory_space<vmem>>, vector<1x16xf32>,
      } {sc.loop_unroll_factor = 1 : i64, sc.parallel_access}
    } {sc.loop_unroll_factor = 1 : i64, sc.parallel_access}
    %dma_wait3A_418 = arith.constant 0 : i32
    %dma_wait3A_419 = tpu.memref_slice %arg2[%add3A_406, %dma_wait3A_418] : memref<16384x1024xf32, #tpu.memory_space<hbm>> -> memref<16x1024xf32, #tpu.memory_space<hbm>>
    %dma_wait3A_420 = arith.constant 0 : i32
    %dma_wait3A_421 = tpu.memref_slice %arg2[%add3A_406, %dma_wait3A_420] : memref<16384x1024xf32, #tpu.memory_space<hbm>> -> memref<16x1024xf32, #tpu.memory_space<hbm>>
    tpu.wait_dma2 semaphore(%arg17 : memref<!tpu.dma_semaphore, #tpu.memory_space<semaphore_mem>>) src(%dma_wait3A_421 : memref<16x1024xf32, #tpu.memory_space<hbm>>) dst(%arg8 : memref<16x1024xf32, #tpu.memory_space<vmem>>)
    %parallel_loop3A_422 = arith.constant 0 : i32
    %parallel_loop3A_423 = arith.constant 16 : i32
    %parallel_loop3A_424 = arith.constant 1 : i32
    scf.for %parallel_loop3A_439 = %parallel_loop3A_422 to %parallel_loop3A_423 step %parallel_loop3A_424  : i32 {
      %parallel_loop3A_440 = arith.constant 48 : i32
      %parallel_loop3A_441 = arith.addi %parallel_loop3A_440, %parallel_loop3A_439 : i32
      %parallel_loop3A_442 = arith.index_cast %parallel_loop3A_441 : i32 to index
      %parallel_loop3A_443 = memref.load %arg10[%parallel_loop3A_442] : memref<64xi32, #tpu.memory_space<smem>>
      %parallel_loop3A_444 = arith.constant 32 : i32
      %parallel_loop3A_445 = arith.subi %parallel_loop3A_443, %parallel_loop3A_444 : i32
      %parallel_loop3A_446 = arith.constant 0 : i32
      %parallel_loop3A_447 = arith.constant 64 : i32
      %parallel_loop3A_448 = arith.constant 8 : i32
      scf.for %parallel_loop3A_449 = %parallel_loop3A_446 to %parallel_loop3A_447 step %parallel_loop3A_448  : i32 {
        %parallel_loop3A_450 = arith.constant 0 : i32
        %parallel_loop3A_451 = arith.addi %parallel_loop3A_449, %parallel_loop3A_450 : i32
        %parallel_loop3A_452 = arith.constant 16 : i32
        %parallel_loop3A_453 = arith.muli %parallel_loop3A_451, %parallel_loop3A_452 : i32
        %parallel_loop3A_454 = arith.constant 1 : i32
        %parallel_loop3A_455 = arith.addi %parallel_loop3A_449, %parallel_loop3A_454 : i32
        %parallel_loop3A_456 = arith.constant 16 : i32
        %parallel_loop3A_457 = arith.muli %parallel_loop3A_455, %parallel_loop3A_456 : i32
        %parallel_loop3A_458 = arith.constant 2 : i32
        %parallel_loop3A_459 = arith.addi %parallel_loop3A_449, %parallel_loop3A_458 : i32
        %parallel_loop3A_460 = arith.constant 16 : i32
        %parallel_loop3A_461 = arith.muli %parallel_loop3A_459, %parallel_loop3A_460 : i32
        %parallel_loop3A_462 = arith.constant 3 : i32
        %parallel_loop3A_463 = arith.addi %parallel_loop3A_449, %parallel_loop3A_462 : i32
        %parallel_loop3A_464 = arith.constant 16 : i32
        %parallel_loop3A_465 = arith.muli %parallel_loop3A_463, %parallel_loop3A_464 : i32
        %parallel_loop3A_466 = arith.constant 4 : i32
        %parallel_loop3A_467 = arith.addi %parallel_loop3A_449, %parallel_loop3A_466 : i32
        %parallel_loop3A_468 = arith.constant 16 : i32
        %parallel_loop3A_469 = arith.muli %parallel_loop3A_467, %parallel_loop3A_468 : i32
        %parallel_loop3A_470 = arith.constant 5 : i32
        %parallel_loop3A_471 = arith.addi %parallel_loop3A_449, %parallel_loop3A_470 : i32
        %parallel_loop3A_472 = arith.constant 16 : i32
        %parallel_loop3A_473 = arith.muli %parallel_loop3A_471, %parallel_loop3A_472 : i32
        %parallel_loop3A_474 = arith.constant 6 : i32
        %parallel_loop3A_475 = arith.addi %parallel_loop3A_449, %parallel_loop3A_474 : i32
        %parallel_loop3A_476 = arith.constant 16 : i32
        %parallel_loop3A_477 = arith.muli %parallel_loop3A_475, %parallel_loop3A_476 : i32
        %parallel_loop3A_478 = arith.constant 7 : i32
        %parallel_loop3A_479 = arith.addi %parallel_loop3A_449, %parallel_loop3A_478 : i32
        %parallel_loop3A_480 = arith.constant 16 : i32
        %parallel_loop3A_481 = arith.muli %parallel_loop3A_479, %parallel_loop3A_480 : i32
        %parallel_loop3A_482 = arith.index_cast %parallel_loop3A_439 : i32 to index
        %parallel_loop3A_483 = arith.index_cast %parallel_loop3A_453 : i32 to index
        %parallel_loop3A_484 = tpu.vector_load %arg8[%parallel_loop3A_482, %parallel_loop3A_483] {strides = array<i32>} : memref<16x1024xf32, #tpu.memory_space<vmem>>, vector<1x16xf32>,
        %parallel_loop3A_485 = vector.shape_cast %parallel_loop3A_484 : vector<1x16xf32> to vector<16xf32>
        %parallel_loop3A_486 = arith.index_cast %parallel_loop3A_439 : i32 to index
        %parallel_loop3A_487 = arith.index_cast %parallel_loop3A_457 : i32 to index
        %parallel_loop3A_488 = tpu.vector_load %arg8[%parallel_loop3A_486, %parallel_loop3A_487] {strides = array<i32>} : memref<16x1024xf32, #tpu.memory_space<vmem>>, vector<1x16xf32>,
        %parallel_loop3A_489 = vector.shape_cast %parallel_loop3A_488 : vector<1x16xf32> to vector<16xf32>
        %parallel_loop3A_490 = arith.index_cast %parallel_loop3A_439 : i32 to index
        %parallel_loop3A_491 = arith.index_cast %parallel_loop3A_461 : i32 to index
        %parallel_loop3A_492 = tpu.vector_load %arg8[%parallel_loop3A_490, %parallel_loop3A_491] {strides = array<i32>} : memref<16x1024xf32, #tpu.memory_space<vmem>>, vector<1x16xf32>,
        %parallel_loop3A_493 = vector.shape_cast %parallel_loop3A_492 : vector<1x16xf32> to vector<16xf32>
        %parallel_loop3A_494 = arith.index_cast %parallel_loop3A_439 : i32 to index
        %parallel_loop3A_495 = arith.index_cast %parallel_loop3A_465 : i32 to index
        %parallel_loop3A_496 = tpu.vector_load %arg8[%parallel_loop3A_494, %parallel_loop3A_495] {strides = array<i32>} : memref<16x1024xf32, #tpu.memory_space<vmem>>, vector<1x16xf32>,
        %parallel_loop3A_497 = vector.shape_cast %parallel_loop3A_496 : vector<1x16xf32> to vector<16xf32>
        %parallel_loop3A_498 = arith.index_cast %parallel_loop3A_439 : i32 to index
        %parallel_loop3A_499 = arith.index_cast %parallel_loop3A_469 : i32 to index
        %parallel_loop3A_500 = tpu.vector_load %arg8[%parallel_loop3A_498, %parallel_loop3A_499] {strides = array<i32>} : memref<16x1024xf32, #tpu.memory_space<vmem>>, vector<1x16xf32>,
        %parallel_loop3A_501 = vector.shape_cast %parallel_loop3A_500 : vector<1x16xf32> to vector<16xf32>
        %parallel_loop3A_502 = arith.index_cast %parallel_loop3A_439 : i32 to index
        %parallel_loop3A_503 = arith.index_cast %parallel_loop3A_473 : i32 to index
        %parallel_loop3A_504 = tpu.vector_load %arg8[%parallel_loop3A_502, %parallel_loop3A_503] {strides = array<i32>} : memref<16x1024xf32, #tpu.memory_space<vmem>>, vector<1x16xf32>,
        %parallel_loop3A_505 = vector.shape_cast %parallel_loop3A_504 : vector<1x16xf32> to vector<16xf32>
        %parallel_loop3A_506 = arith.index_cast %parallel_loop3A_439 : i32 to index
        %parallel_loop3A_507 = arith.index_cast %parallel_loop3A_477 : i32 to index
        %parallel_loop3A_508 = tpu.vector_load %arg8[%parallel_loop3A_506, %parallel_loop3A_507] {strides = array<i32>} : memref<16x1024xf32, #tpu.memory_space<vmem>>, vector<1x16xf32>,
        %parallel_loop3A_509 = vector.shape_cast %parallel_loop3A_508 : vector<1x16xf32> to vector<16xf32>
        %parallel_loop3A_510 = arith.index_cast %parallel_loop3A_439 : i32 to index
        %parallel_loop3A_511 = arith.index_cast %parallel_loop3A_481 : i32 to index
        %parallel_loop3A_512 = tpu.vector_load %arg8[%parallel_loop3A_510, %parallel_loop3A_511] {strides = array<i32>} : memref<16x1024xf32, #tpu.memory_space<vmem>>, vector<1x16xf32>,
        %parallel_loop3A_513 = vector.shape_cast %parallel_loop3A_512 : vector<1x16xf32> to vector<16xf32>
        %parallel_loop3A_514 = arith.index_cast %parallel_loop3A_445 : i32 to index
        %parallel_loop3A_515 = arith.index_cast %parallel_loop3A_453 : i32 to index
        %parallel_loop3A_516 = tpu.vector_load %arg6[%parallel_loop3A_514, %parallel_loop3A_515] {strides = array<i32>} : memref<32x1024xf32, #tpu.memory_space<vmem>>, vector<1x16xf32>,
        %parallel_loop3A_517 = vector.shape_cast %parallel_loop3A_516 : vector<1x16xf32> to vector<16xf32>
        %parallel_loop3A_518 = vector.shape_cast %parallel_loop3A_485 : vector<16xf32> to vector<1x16xf32>
        tpu.vector_store %arg6[%parallel_loop3A_514, %parallel_loop3A_515], %parallel_loop3A_518 {add = true, strides = array<i32>} : memref<32x1024xf32, #tpu.memory_space<vmem>>, vector<1x16xf32>,
        %parallel_loop3A_519 = arith.index_cast %parallel_loop3A_445 : i32 to index
        %parallel_loop3A_520 = arith.index_cast %parallel_loop3A_457 : i32 to index
        %parallel_loop3A_521 = tpu.vector_load %arg6[%parallel_loop3A_519, %parallel_loop3A_520] {strides = array<i32>} : memref<32x1024xf32, #tpu.memory_space<vmem>>, vector<1x16xf32>,
        %parallel_loop3A_522 = vector.shape_cast %parallel_loop3A_521 : vector<1x16xf32> to vector<16xf32>
        %parallel_loop3A_523 = vector.shape_cast %parallel_loop3A_489 : vector<16xf32> to vector<1x16xf32>
        tpu.vector_store %arg6[%parallel_loop3A_519, %parallel_loop3A_520], %parallel_loop3A_523 {add = true, strides = array<i32>} : memref<32x1024xf32, #tpu.memory_space<vmem>>, vector<1x16xf32>,
        %parallel_loop3A_524 = arith.index_cast %parallel_loop3A_445 : i32 to index
        %parallel_loop3A_525 = arith.index_cast %parallel_loop3A_461 : i32 to index
        %parallel_loop3A_526 = tpu.vector_load %arg6[%parallel_loop3A_524, %parallel_loop3A_525] {strides = array<i32>} : memref<32x1024xf32, #tpu.memory_space<vmem>>, vector<1x16xf32>,
        %parallel_loop3A_527 = vector.shape_cast %parallel_loop3A_526 : vector<1x16xf32> to vector<16xf32>
        %parallel_loop3A_528 = vector.shape_cast %parallel_loop3A_493 : vector<16xf32> to vector<1x16xf32>
        tpu.vector_store %arg6[%parallel_loop3A_524, %parallel_loop3A_525], %parallel_loop3A_528 {add = true, strides = array<i32>} : memref<32x1024xf32, #tpu.memory_space<vmem>>, vector<1x16xf32>,
        %parallel_loop3A_529 = arith.index_cast %parallel_loop3A_445 : i32 to index
        %parallel_loop3A_530 = arith.index_cast %parallel_loop3A_465 : i32 to index
        %parallel_loop3A_531 = tpu.vector_load %arg6[%parallel_loop3A_529, %parallel_loop3A_530] {strides = array<i32>} : memref<32x1024xf32, #tpu.memory_space<vmem>>, vector<1x16xf32>,
        %parallel_loop3A_532 = vector.shape_cast %parallel_loop3A_531 : vector<1x16xf32> to vector<16xf32>
        %parallel_loop3A_533 = vector.shape_cast %parallel_loop3A_497 : vector<16xf32> to vector<1x16xf32>
        tpu.vector_store %arg6[%parallel_loop3A_529, %parallel_loop3A_530], %parallel_loop3A_533 {add = true, strides = array<i32>} : memref<32x1024xf32, #tpu.memory_space<vmem>>, vector<1x16xf32>,
        %parallel_loop3A_534 = arith.index_cast %parallel_loop3A_445 : i32 to index
        %parallel_loop3A_535 = arith.index_cast %parallel_loop3A_469 : i32 to index
        %parallel_loop3A_536 = tpu.vector_load %arg6[%parallel_loop3A_534, %parallel_loop3A_535] {strides = array<i32>} : memref<32x1024xf32, #tpu.memory_space<vmem>>, vector<1x16xf32>,
        %parallel_loop3A_537 = vector.shape_cast %parallel_loop3A_536 : vector<1x16xf32> to vector<16xf32>
        %parallel_loop3A_538 = vector.shape_cast %parallel_loop3A_501 : vector<16xf32> to vector<1x16xf32>
        tpu.vector_store %arg6[%parallel_loop3A_534, %parallel_loop3A_535], %parallel_loop3A_538 {add = true, strides = array<i32>} : memref<32x1024xf32, #tpu.memory_space<vmem>>, vector<1x16xf32>,
        %parallel_loop3A_539 = arith.index_cast %parallel_loop3A_445 : i32 to index
        %parallel_loop3A_540 = arith.index_cast %parallel_loop3A_473 : i32 to index
        %parallel_loop3A_541 = tpu.vector_load %arg6[%parallel_loop3A_539, %parallel_loop3A_540] {strides = array<i32>} : memref<32x1024xf32, #tpu.memory_space<vmem>>, vector<1x16xf32>,
        %parallel_loop3A_542 = vector.shape_cast %parallel_loop3A_541 : vector<1x16xf32> to vector<16xf32>
        %parallel_loop3A_543 = vector.shape_cast %parallel_loop3A_505 : vector<16xf32> to vector<1x16xf32>
        tpu.vector_store %arg6[%parallel_loop3A_539, %parallel_loop3A_540], %parallel_loop3A_543 {add = true, strides = array<i32>} : memref<32x1024xf32, #tpu.memory_space<vmem>>, vector<1x16xf32>,
        %parallel_loop3A_544 = arith.index_cast %parallel_loop3A_445 : i32 to index
        %parallel_loop3A_545 = arith.index_cast %parallel_loop3A_477 : i32 to index
        %parallel_loop3A_546 = tpu.vector_load %arg6[%parallel_loop3A_544, %parallel_loop3A_545] {strides = array<i32>} : memref<32x1024xf32, #tpu.memory_space<vmem>>, vector<1x16xf32>,
        %parallel_loop3A_547 = vector.shape_cast %parallel_loop3A_546 : vector<1x16xf32> to vector<16xf32>
        %parallel_loop3A_548 = vector.shape_cast %parallel_loop3A_509 : vector<16xf32> to vector<1x16xf32>
        tpu.vector_store %arg6[%parallel_loop3A_544, %parallel_loop3A_545], %parallel_loop3A_548 {add = true, strides = array<i32>} : memref<32x1024xf32, #tpu.memory_space<vmem>>, vector<1x16xf32>,
        %parallel_loop3A_549 = arith.index_cast %parallel_loop3A_445 : i32 to index
        %parallel_loop3A_550 = arith.index_cast %parallel_loop3A_481 : i32 to index
        %parallel_loop3A_551 = tpu.vector_load %arg6[%parallel_loop3A_549, %parallel_loop3A_550] {strides = array<i32>} : memref<32x1024xf32, #tpu.memory_space<vmem>>, vector<1x16xf32>,
        %parallel_loop3A_552 = vector.shape_cast %parallel_loop3A_551 : vector<1x16xf32> to vector<16xf32>
        %parallel_loop3A_553 = vector.shape_cast %parallel_loop3A_513 : vector<16xf32> to vector<1x16xf32>
        tpu.vector_store %arg6[%parallel_loop3A_549, %parallel_loop3A_550], %parallel_loop3A_553 {add = true, strides = array<i32>} : memref<32x1024xf32, #tpu.memory_space<vmem>>, vector<1x16xf32>,
      } {sc.loop_unroll_factor = 1 : i64, sc.parallel_access}
    } {sc.loop_unroll_factor = 1 : i64, sc.parallel_access}
    %sub3A_425 = arith.constant 6144 : i32
    %sub3A_426 = arith.subi %add3A_394, %sub3A_425 : i32
    %dma_start3A_427 = arith.constant 0 : i32
    %dma_start3A_428 = tpu.memref_slice %arg4[%sub3A_426, %dma_start3A_427] : memref<2048x1024xf32, #tpu.memory_space<hbm>> -> memref<32x1024xf32, #tpu.memory_space<hbm>>
    %dma_start3A_429 = arith.constant 0 : i32
    %dma_start3A_430 = tpu.memref_slice %arg4[%sub3A_426, %dma_start3A_429] : memref<2048x1024xf32, #tpu.memory_space<hbm>> -> memref<32x1024xf32, #tpu.memory_space<hbm>>
    tpu.enqueue_dma source(%arg6 : memref<32x1024xf32, #tpu.memory_space<vmem>>) target(%dma_start3A_430 : memref<32x1024xf32, #tpu.memory_space<hbm>>) target_semaphore(%arg14 : memref<!tpu.dma_semaphore, #tpu.memory_space<semaphore_mem>>)
    %dma_wait3A_431 = arith.constant 0 : i32
    %dma_wait3A_432 = tpu.memref_slice %arg4[%sub3A_388, %dma_wait3A_431] : memref<2048x1024xf32, #tpu.memory_space<hbm>> -> memref<32x1024xf32, #tpu.memory_space<hbm>>
    %dma_wait3A_433 = arith.constant 0 : i32
    %dma_wait3A_434 = tpu.memref_slice %arg4[%sub3A_388, %dma_wait3A_433] : memref<2048x1024xf32, #tpu.memory_space<hbm>> -> memref<32x1024xf32, #tpu.memory_space<hbm>>
    tpu.wait_dma2 semaphore(%arg13 : memref<!tpu.dma_semaphore, #tpu.memory_space<semaphore_mem>>) src(%arg5 : memref<32x1024xf32, #tpu.memory_space<vmem>>) dst(%dma_wait3A_434 : memref<32x1024xf32, #tpu.memory_space<hbm>>)
    %dma_wait3A_435 = arith.constant 0 : i32
    %dma_wait3A_436 = tpu.memref_slice %arg4[%sub3A_426, %dma_wait3A_435] : memref<2048x1024xf32, #tpu.memory_space<hbm>> -> memref<32x1024xf32, #tpu.memory_space<hbm>>
    %dma_wait3A_437 = arith.constant 0 : i32
    %dma_wait3A_438 = tpu.memref_slice %arg4[%sub3A_426, %dma_wait3A_437] : memref<2048x1024xf32, #tpu.memory_space<hbm>> -> memref<32x1024xf32, #tpu.memory_space<hbm>>
    tpu.wait_dma2 semaphore(%arg14 : memref<!tpu.dma_semaphore, #tpu.memory_space<semaphore_mem>>) src(%arg6 : memref<32x1024xf32, #tpu.memory_space<vmem>>) dst(%dma_wait3A_438 : memref<32x1024xf32, #tpu.memory_space<hbm>>)
    return
  }
}

module attributes {stable_mosaic.version = 14 : i64} {
  func.func @_tc_add_body(%arg0: i32, %arg1: memref<512x1024xf32, #tpu.memory_space<vmem>>, %arg2: memref<512x1024xf32, #tpu.memory_space<vmem>>, %arg3: memref<512x1024xf32, #tpu.memory_space<vmem>>) attributes {dimension_semantics = [#tpu.dimension_semantics<arbitrary>], iteration_bounds = array<i64: 12>, scalar_prefetch = 0 : i64, scratch_operands = 0 : i64, tpu.core_type = #tpu.core_type<tc>, window_params = [{transform_indices = @transform_0, window_bounds = array<i64: 512, 1024>}, {transform_indices = @transform_1, window_bounds = array<i64: 512, 1024>}, {transform_indices = @transform_2, window_bounds = array<i64: 512, 1024>}]} {
    %get3A = arith.constant 0 : index
    %get3A_0 = arith.constant 0 : index
    %get3A_1 = vector.load %arg1[%get3A, %get3A_0] : memref<512x1024xf32, #tpu.memory_space<vmem>>, vector<512x1024xf32>
    %get3A_2 = arith.constant 0 : index
    %get3A_3 = arith.constant 0 : index
    %get3A_4 = vector.load %arg2[%get3A_2, %get3A_3] : memref<512x1024xf32, #tpu.memory_space<vmem>>, vector<512x1024xf32>
    %add3A = arith.addf %get3A_1, %get3A_4 : vector<512x1024xf32>
    %swap3A = arith.constant 0 : index
    %swap3A_5 = arith.constant 0 : index
    %swap3A_6 = vector.load %arg3[%swap3A, %swap3A_5] : memref<512x1024xf32, #tpu.memory_space<vmem>>, vector<512x1024xf32>
    tpu.vector_store %arg3[%swap3A, %swap3A_5], %add3A {strides = array<i32>} : memref<512x1024xf32, #tpu.memory_space<vmem>>, vector<512x1024xf32>,
    return
  }
  func.func @transform_0(%arg0: i32) -> (i32, i32) {
    %c0_i32 = arith.constant 0 : i32
    %c0_i32_0 = arith.constant 0 : i32
    return %arg0, %c0_i32 : i32, i32
  }
  func.func @transform_1(%arg0: i32) -> (i32, i32) {
    %add3A = arith.constant 16 : i32
    %add3A_0 = arith.addi %arg0, %add3A : i32
    %c0_i32 = arith.constant 0 : i32
    %c0_i32_1 = arith.constant 0 : i32
    return %add3A_0, %c0_i32 : i32, i32
  }
  func.func @transform_2(%arg0: i32) -> (i32, i32) {
    %c0_i32 = arith.constant 0 : i32
    %c0_i32_0 = arith.constant 0 : i32
    return %arg0, %c0_i32 : i32, i32
  }
}

</mosaic_0001>

<sc_bundles>
// kernel: kernel.4.cloned.1.call-start
scs
__scs_entry_jumppad:
0x0: {  	(pc) =	sbr.rel $0x88, $3  }
0x1: {  	(tag) =	ssettag $0x0;
	lr =	simm.s32 $0x1  }
0x2: {  	[smem:$0x3F9F] =	sst lr;
	_ =	strace $0xD0000000  }
0x3: {  	_ = 	snop  }
0x4: {  	_ = 	snop  }
0x5: {  	_ = 	snop  }
0x6: {  	_ = 	snop  }
0x7: {  	_ = 	snop  }
__scs_overlays_trampoline_lowered:
0x8: {  	[smem:$0x3FAE] =	sst s0  }
0x9: {  	[smem:$0x3FAF] =	sst s1  }
0xa: {  	[smem:$0x3FB0] =	sst s2  }
0xb: {  	[smem:$0x3FB1] =	sst s3  }
0xc: {  	[smem:$0x3FB2] =	sst s4  }
0xd: {  	[smem:$0x3FB3] =	sst s5  }
0xe: {  	[smem:$0x3FB4] =	sst s6  }
0xf: {  	[smem:$0x3FB5] =	sst s7  }
0x10: {  	[smem:$0x3FB6] =	sst s8  }
0x11: {  	[smem:$0x3FB7] =	sst s9;
	s0 =	simm.s32 @!p0 $0x0  }
0x12: {  	s1 =	sld [smem:$0x3F9D];
	s0 =	simm.s32 @p0 $0x1  }
0x13: {  	[smem:$0x3FB8] =	sst s0;
	s0 =	simm.s32 @!p1 $0x0  }
0x14: {  	s2 =	sld [smem:$0x3F9C];
	s0 =	simm.s32 @p1 $0x1  }
0x15: {  	[smem:$0x3FB9] =	sst s0;
	s0 =	simm.s32 @!p2 $0x0  }
0x16: {  	s3 =	sld [smem:$0x3FDB];
	s0 =	simm.s32 @p2 $0x1  }
0x17: {  	s4 =	simm.s32 $0x1BF5;
	[smem:$0x3FBB] =	sst s0  }
0x18: {  	s0 =	sld [smem:$0x3F9E];
	_ =	swait.ge [sflag:s4], $0x0  }
0x19: {  	s7 =	sld [smem:$0x3F9F]  }
0x1a: {  	s8 =	sadd.s32 $0xFFFFE003, lr  }
0x1b: {  	s9 =	sadd.s32 $0xFFFFFEF7, lr;
	s5 =	simm.s32 $0xFFFFFFFF;
	p2 =	slt.u32 s8, $0xFFFFF086  }
0x1c: {  	p1 =	slt.u32 s9, $0xF7A;
	s5 =	simm.s32 @!p2 $0x0  }
0x1d: {  	s5 =	simm.s32 @p1 $0x1;
	p0 =	seq.s32 s7, s2  }
0x1e: {  	s7 =	smul.u32 @!p0 $0xF7A, s2;
	p2 =	seq.s32 @!p0 s5, $0x0  }
0x1f: {  	s9 =	smul.u32 $0xF7A, s1;
	s8 =	simm.s32 @!p0 $0x1BF5;
	p2 =	por !p2, p0  }
0x20: {  	[sflag:s8] =	ssyncset.s32 @!p0 $0xFFFFF086;
	s6 =	sadd.s32 @!p0 s3, s7;
	s7 =	simm.s32 @!p0 $0x108  }
0x21: {  	s3 =	sadd.s32 s3, s9;
	s6 =	sadd.s32 @!p0 $0x88, s6;
	s7 =	simm.s32 @p2 $0x1082  }
0x22: {  	[simem:s7], [sflag:s8] =	dma.local @!p0 [hbm:s6], $0xF7A  }
0x23: {  	s9 =	sor.u32 $0xD0000000, s2;
	s6 =	simm.s32 $0x108;
	_ =	swait.ge @!p0 [sflag:s8], $0x0  }
0x24: {  	s3 =	sadd.s32 $0x88, s3;
	s6 =	simm.s32 @!p1 $0x1082;
	[sflag:s4] =	ssyncset.s32 $0xFFFFF086  }
0x25: {  	[simem:s6], [sflag:s4] =	dma.local [hbm:s3], $0xF7A  }
0x26: {  	[smem:$0x3F9F] =	sst s1;
	(tag) =	ssettag s2;
	_ =	strace s9  }
0x27: {  	s1 =	sld [smem:$0x3FAF]  }
0x28: {  	s2 =	sld [smem:$0x3FB0]  }
0x29: {  	s4 =	sld [smem:$0x3FB2]  }
0x2a: {  	p0 =	seq.s32 s5, $0x0;
	s5 =	sld [smem:$0x3FB3]  }
0x2b: {  	s6 =	sld [smem:$0x3FB4]  }
0x2c: {  	s7 =	sld [smem:$0x3FB5]  }
0x2d: {  	s3 =	simm.s32 $0x108;
	s8 =	sld [smem:$0x3FB6]  }
0x2e: {  	s3 =	simm.s32 @!p0 $0x1082;
	s9 =	sld [smem:$0x3FB7]  }
0x2f: {  	lr =	sadd.s32 s0, s3;
	s0 =	sld [smem:$0x3FAE]  }
0x30: {  	s3 =	sld [smem:$0x3FB1]  }
0x31: {  	[smem:$0x3FBA] =	sst s10  }
0x32: {  	s10 =	sld [smem:$0x3FB8];
	_ =	sdelay $0x3  }
0x33: {  	p0 =	seq.s32 s10, $0x1;
	s10 =	sld [smem:$0x3FBA];
	_ =	sdelay $0x3  }
0x34: {  	[smem:$0x3FBA] =	sst s10  }
0x35: {  	s10 =	sld [smem:$0x3FB9];
	_ =	sdelay $0x3  }
0x36: {  	p1 =	seq.s32 s10, $0x1;
	s10 =	sld [smem:$0x3FBA];
	_ =	sdelay $0x3  }
0x37: {  	[smem:$0x3FBA] =	sst s10  }
0x38: {  	s10 =	sld [smem:$0x3FBB]  }
0x39: {  	_ = 	snop;
	(pc) =	sbr.ind lr, $3  }
0x3a: {  	_ = 	snop  }
0x3b: {  	_ = 	snop  }
0x3c: {  	p2 =	seq.s32 s10, $0x1;
	s10 =	sld [smem:$0x3FBA]  }
0x3d: {  	_ =	shalt  }
0x3e: {  	_ =	shalt  }
0x3f: {  	_ =	shalt  }
0x40: {  	_ =	shalt  }
0x41: {  	_ =	shalt  }
0x42: {  	_ =	shalt  }
0x43: {  	_ =	shalt  }
0x44: {  	_ =	shalt  }
0x45: {  	_ =	shalt  }
0x46: {  	_ =	shalt  }
0x47: {  	_ =	shalt  }
0x48: {  	_ =	shalt  }
0x49: {  	_ =	shalt  }
0x4a: {  	_ =	shalt  }
0x4b: {  	_ =	shalt  }
0x4c: {  	_ =	shalt  }
0x4d: {  	_ =	shalt  }
0x4e: {  	_ =	shalt  }
0x4f: {  	_ =	shalt  }
0x50: {  	_ =	shalt  }
0x51: {  	_ =	shalt  }
0x52: {  	_ =	shalt  }
0x53: {  	_ =	shalt  }
0x54: {  	_ =	shalt  }
0x55: {  	_ =	shalt  }
0x56: {  	_ =	shalt  }
0x57: {  	_ =	shalt  }
0x58: {  	_ =	shalt  }
0x59: {  	_ =	shalt  }
0x5a: {  	_ =	shalt  }
0x5b: {  	_ =	shalt  }
0x5c: {  	_ =	shalt  }
0x5d: {  	_ =	shalt  }
0x5e: {  	_ =	shalt  }
0x5f: {  	_ =	shalt  }
0x60: {  	_ =	shalt  }
0x61: {  	_ =	shalt  }
0x62: {  	_ =	shalt  }
0x63: {  	_ =	shalt  }
0x64: {  	_ =	shalt  }
0x65: {  	_ =	shalt  }
0x66: {  	_ =	shalt  }
0x67: {  	_ =	shalt  }
0x68: {  	_ =	shalt  }
0x69: {  	_ =	shalt  }
0x6a: {  	_ =	shalt  }
0x6b: {  	_ =	shalt  }
0x6c: {  	_ =	shalt  }
0x6d: {  	_ =	shalt  }
0x6e: {  	_ =	shalt  }
0x6f: {  	_ =	shalt  }
0x70: {  	_ =	shalt  }
0x71: {  	_ =	shalt  }
0x72: {  	_ =	shalt  }
0x73: {  	_ =	shalt  }
0x74: {  	_ =	shalt  }
0x75: {  	_ =	shalt  }
0x76: {  	_ =	shalt  }
0x77: {  	_ =	shalt  }
0x78: {  	_ =	shalt  }
0x79: {  	_ =	shalt  }
0x7a: {  	_ =	shalt  }
0x7b: {  	_ =	shalt  }
0x7c: {  	_ =	shalt  }
0x7d: {  	_ =	shalt  }
0x7e: {  	_ =	shalt  }
0x7f: {  	_ =	shalt  }
0x80: {  	_ =	shalt  }
0x81: {  	_ =	shalt  }
0x82: {  	_ =	shalt  }
0x83: {  	_ =	shalt  }
0x84: {  	_ =	shalt  }
0x85: {  	_ =	shalt  }
0x86: {  	_ =	shalt  }
0x87: {  	_ =	shalt  }
.Lfunc_end0:
.L_simem_size_0:
called_computation_lowered:
.L_overlay_start_0:
0x88: {  	s2 =	sld [smem:$0x3FD9]  }
0x89: {  	s3 =	sld [smem:$0x3FFE];
	_ =	sdelay $0x1  }
0x8a: {  	s1 =	srdreg.scid  }
0x8b: {  	s0 =	sand.u32 $0x1, s1  }
0x8c: {  	s17 =	sshll.u32 s0, $0xA;
	s2 =	sadd.s32 s3, s2  }
0x8d: {  	s2 =	sadd.s32 s2, s17  }
0x8e: {  	[smem:$0x3FC6] =	sst s2  }
0x8f: {  	_ = 	snop  }
0x90: {  	s2 =	sld [smem:$0x3FC9];
	(tm) =	ssettm $0x1  }
0x91: {  	s18 =	sld [smem:$0x3FFB];
	_ =	sdelay $0x3  }
0x92: {  	_ =	strace s18  }
0x93: {  	s3 =	sld [smem:$0x3FFC];
	_ =	sdelay $0x3  }
0x94: {  	_ =	strace s3  }
0x95: {  	s3 =	sld [smem:$0x3FFD];
	_ =	sdelay $0x3  }
0x96: {  	_ =	strace s3  }
0x97: {  	_ =	strace $0x8FFFFFFF  }
0x98: {  	s19 =	sld [smem:$0x3FDB];
	_ =	sdelay $0x1  }
0x99: {  	s4 =	simm.s32 $_scs_section_size  }
0x9a: {  	s5 =	simm.s32 $_size__tile_overlayer_lowered;
	s6 =	simm.s32 $_tile_overlayer_lowered  }
0x9b: {  	s22 =	simm.s32 $0x1BFF;
	s21 =	sshll.u32 s6, $0x1;
	s3 =	sadd.s32 s4, s19  }
0x9c: {  	s7 =	simm.s32 $0x0;
	s20 =	sshll.u32 s5, $0x1;
	s5 =	sadd.s32 s21, s3  }
0x9d: {  	[timem:s7], [sflag:s22] =	dma.local [hbm:s5], s20  }
0x9e: {  	_ =	swait.ge [sflag:s22], s20  }
0x9f: {  	s4 =	ssub.s32 $0x0, s20;
	[sflag:s22] =	ssyncset.done $0x0  }
0xa0: {  	[sflag:s22] =	ssyncadd.s32 s4;
	_ =	sdelay $0x1  }
0xa1: {  	s23 =	simm.s32 $0x1B8B  }
0xa2: {  	_ =	swait.ge [sflag:s23], $0x1  }
0xa3: {  	[sflag:s23] =	ssyncset.done $0x0  }
0xa4: {  	s25 =	simm.s32 $0x1B8E;
	s24 =	sld [smem:$0x3FFE];
	[sflag:s23] =	ssyncadd.s32 $0xFFFFFFFF  }
0xa5: {  	s26 =	simm.s32 $execute0_lowered;
	[smem:$0x3FD2] =	sst s25  }
0xa6: {  	s5 =	sshll.u32 s26, $0x1;
	_ =	strace $0x80000046;
	[dreg:$0x1] =	wrdreg $0xFFFFFFFF  }
0xa7: {  	s28 =	simm.s32 $_size_execute0_lowered;
	s3 =	sadd.s32 s3, s5;
	[dreg:$0x0] =	wrdreg $0x0  }
0xa8: {  	s5 =	sshll.u32 s28, $0x1;
	[dreg:$0x2] =	wrdreg s3  }
0xa9: {  	[dreg:$0x3] =	wrdreg s5  }
0xaa: {  	[dreg:$0x4] =	wrdreg $0xC0  }
0xab: {  	_ =	task [dreg:s7], $0x5FFFF  }
0xac: {  	[dreg:$0x1] =	wrdreg $0xFFFFFFFF  }
0xad: {  	[dreg:$0x0] =	wrdreg $0x60  }
0xae: {  	[dreg:$0x2] =	wrdreg s2  }
0xaf: {  	[dreg:$0x3] =	wrdreg s24  }
0xb0: {  	[dreg:$0x4] =	wrdreg $0x9  }
0xb1: {  	_ =	task.clear_ibuf [dreg:s7], $0x5FFFF;
	_ =	strace $0x90000046  }
0xb2: {  	s29 =	simm.s32 $0x9;
	_ =	strace $0x80000048  }
0xb3: {  	_ =	swait.ge [sflag:s29], $0x1  }
0xb4: {  	[sflag:s29] =	ssyncadd.s32 $0xFFFFFFFF  }
0xb5: {  	_ =	strace $0x90000048  }
0xb6: {  	_ =	sfence  }
0xb7: {  	s30 =	sld [smem:$0x0];
	_ =	sdelay $0x2  }
0xb8: {  	s31 =	sshll.u32 s1, $0xD;
	s1 =	sshrl.u32 s1, $0x2  }
0xb9: {  	s3 =	sand.u32 $0x4000, s31;
	s1 =	sadd.s32 s1, s30  }
0xba: {  	s0 =	sor.u32 s3, s0;
	s1 =	sshll.u32 s1, $0x11  }
0xbb: {  	s0 =	sor.u32 s1, s0  }
0xbc: {  	s0 =	sadd.s32 $0x8F2B, s0  }
0xbd: {  	[sflag:s0] =	ssyncadd.remote.s32 $0x1  }
0xbe: {  	_ =	sfence.sel $0xFFFF  }
0xbf: {  	[dreg:$0x0] =	wrdreg $0xFFFFFFFF;
	(pc) =	sbr.abs _section_cstart, $3  }
0xc0: {  	[dreg:$0x1] =	wrdreg $0xFFFFFFFF  }
0xc1: {  	_ =	task.clear_ibuf [dreg:s7], $0x2FFFF;
	_ =	strace $0x9FFFFFFF  }
0xc2: {  	(tm) =	ssettm $0x7FFFFFFF  }
0xc3: {  	_ =	shalt  }
tec
execute0_lowered:
.L_overlay_start_1:
0x0: {  	(tag) =	ssettag $0x1  }
0x1: {  	s0 =	rddreg [dreg:$0x0]  }
0x2: {  	s3 =	rddreg [dreg:$0x1];
	s2 =	srdreg.scid  }
0x3: {  	s1 =	stileid.u32;
	s13 =	simm.s32 $0x18000;
	s14 =	simm.s32 $0x8000  }
0x4: {  	s15 =	simm.s32 $0x5;
	s16 =	simm.s32 $0x10000;
	s17 =	simm.s32 $0x1  }
0x5: {  	s18 =	simm.s32 $0x14000;
	s19 =	simm.s32 $0x6;
	s20 =	simm.s32 $0x7  }
0x6: {  	s21 =	simm.s32 $0x2;
	s23 =	simm.s32 $0x4;
	s24 =	simm.s32 $0x0  }
0x7: {  	s4 =	sand.u32 $0x1, s2;
	s2 =	simm.s32 $0x0;
	s5 =	sshll.u32 s1, $0x7  }
0x8: {  	s6 =	sshll.u32 s4, $0x6;
	[smem:$0x7FF] =	sst s2;
	s4 =	ssub.s32 $0x2, s4  }
0x9: {  	s5 =	sor.u32 s6, s5;
	_ =	strace $0x80000047;
	s30 =	sshrl.u32 s4, $0x1  }
0xa: {  	s6 =	sor.u32 $0x3800, s5;
	s8 =	sshll.u32 s5, $0x7;
	s12 =	ssub.s32 s4, s30  }
0xb: {  	s22 =	sor.u32 $0x1800, s5;
	s7 =	sshrl.u32 s6, $0x3;
	s11 =	sadd.s32 s8, s3  }
0xc: {  	s31 =	sshll.u32 s22, $0x7;
	s10 =	sadd.s32 s8, s0;
	s6 =	sshll.u32 s6, $0x7  }
0xd: {  	s12 =	smax.u32 s12, $0x1;
	v0 =	vmov s22;
	s22 =	simm.s32 $0x3;
	s7 =	sadd.s32 s7, s3  }
0xe: {  	s4 =	sadd.s32 s0, s31;
	s5 =	sadd.s32 $0xC1000, s10;
	s8 =	sadd.s32 $0xC00, s11  }
0xf: {  	s9 =	sadd.s32 $0x1C1000, s10;
	s11 =	sadd.s32 $0x1C00, s11;
	s3 =	sadd.s32 $0x400, s7  }
0x10: {  	s6 =	sadd.s32 s0, s6;
	s7 =	sadd.s32 $0x1C0800, s10;
	s10 =	sadd.s32 $0x1C1800, s10  }
.LBB2_1:
0x11: {  	[tilespmem:s13], [sflag:$0x5] =	stream.linear.gather [hbm4b:s3+s2], $0x40, $0x38;
	[tilespmem:$0x18080] =	vst v63  }
0x12: {  	_ = 	snop  }
0x13: {  	[tilespmem:s2], [sflag:$0x1] =	stream.linear.gather [hbm4b:s4+s2], $0x8000, $0x38;
	[tilespmem:$0x18080] =	vst v63  }
0x14: {  	_ = 	snop  }
0x15: {  	[tilespmem:s14], [sflag:$0x2] =	stream.linear.gather [hbm4b:s5+s2], $0x8000, $0x38;
	[tilespmem:$0x18080] =	vst v63  }
0x16: {  	_ =	swait.ge [sflag:s15], $0x40  }
0x17: {  	[sflag:s15] =	ssyncset.done $0x0  }
0x18: {  	[sflag:s15] =	ssyncadd.s32 $0xFFFFFFC0  }
0x19: {  	v1 =	vld [tilespmem:$0x18000];
	_ =	sdelay $0x4  }
0x1a: {  	v1 =	vsub.s32 v1, v0  }
0x1b: {  	(v2sf) =	vpush v1, $0x0  }
0x1c: {  	(v2sf) =	vpush v1, $0x1  }
0x1d: {  	(v2sf) =	vpush v1, $0x2  }
0x1e: {  	(v2sf) =	vpush v1, $0x3  }
0x1f: {  	(v2sf) =	vpush v1, $0x4  }
0x20: {  	(v2sf) =	vpush v1, $0x5  }
0x21: {  	(v2sf) =	vpush v1, $0x6  }
0x22: {  	(v2sf) =	vpush v1, $0x7  }
0x23: {  	(v2sf) =	vpush v1, $0x8  }
0x24: {  	(v2sf) =	vpush v1, $0x9  }
0x25: {  	v2 =	vld [tilespmem:$0x18010];
	(v2sf) =	vpush v1, $0xA  }
0x26: {  	(v2sf) =	vpush v1, $0xB  }
0x27: {  	(v2sf) =	vpush v1, $0xC  }
0x28: {  	(v2sf) =	vpush v1, $0xD  }
0x29: {  	(v2sf) =	vpush v1, $0xE  }
0x2a: {  	s0 =	spop (v2sf);
	(v2sf) =	vpush v1, $0xF;
	v1 =	vsub.s32 v2, v0  }
0x2b: {  	[smem:$0x0] =	sst s0;
	s1 =	spop (v2sf);
	(v2sf) =	vpush v1, $0x0  }
0x2c: {  	[smem:$0x1] =	sst s1;
	s25 =	spop (v2sf)  }
0x2d: {  	(v2sf) =	vpush v1, $0x1;
	[smem:$0x2] =	sst s25;
	s26 =	spop (v2sf)  }
0x2e: {  	(v2sf) =	vpush v1, $0x2;
	[smem:$0x3] =	sst s26;
	s29 =	spop (v2sf)  }
0x2f: {  	(v2sf) =	vpush v1, $0x3;
	[smem:$0x4] =	sst s29;
	s30 =	spop (v2sf)  }
0x30: {  	(v2sf) =	vpush v1, $0x4;
	[smem:$0x5] =	sst s30;
	s31 =	spop (v2sf)  }
0x31: {  	(v2sf) =	vpush v1, $0x5;
	[smem:$0x6] =	sst s31;
	s1 =	spop (v2sf)  }
0x32: {  	(v2sf) =	vpush v1, $0x6;
	[smem:$0x7] =	sst s1;
	s25 =	spop (v2sf)  }
0x33: {  	(v2sf) =	vpush v1, $0x7;
	[smem:$0x8] =	sst s25;
	s26 =	spop (v2sf)  }
0x34: {  	(v2sf) =	vpush v1, $0x8;
	[smem:$0x9] =	sst s26;
	s29 =	spop (v2sf)  }
0x35: {  	(v2sf) =	vpush v1, $0x9;
	[smem:$0xA] =	sst s29;
	s30 =	spop (v2sf)  }
0x36: {  	v2 =	vld [tilespmem:$0x18020];
	(v2sf) =	vpush v1, $0xA;
	[smem:$0xB] =	sst s30;
	s31 =	spop (v2sf)  }
0x37: {  	(v2sf) =	vpush v1, $0xB;
	[smem:$0xC] =	sst s31;
	s1 =	spop (v2sf)  }
0x38: {  	(v2sf) =	vpush v1, $0xC;
	[smem:$0xD] =	sst s1;
	s25 =	spop (v2sf)  }
0x39: {  	(v2sf) =	vpush v1, $0xD;
	[smem:$0xE] =	sst s25;
	s26 =	spop (v2sf)  }
0x3a: {  	(v2sf) =	vpush v1, $0xE;
	[smem:$0xF] =	sst s26;
	s29 =	spop (v2sf)  }
0x3b: {  	(v2sf) =	vpush v1, $0xF;
	v1 =	vsub.s32 v2, v0;
	v2 =	vld [tilespmem:$0x18030];
	[tilespmem:s16], [sflag:$0x6] =	stream.linear.gather [hbm4b:s6+s2], $0x4000, $0x38  }
0x3c: {  	[smem:$0x10] =	sst s29;
	s30 =	spop (v2sf);
	(v2sf) =	vpush v1, $0x0  }
0x3d: {  	[smem:$0x11] =	sst s30;
	s31 =	spop (v2sf);
	(v2sf) =	vpush v1, $0x1  }
0x3e: {  	[smem:$0x12] =	sst s31;
	s1 =	spop (v2sf);
	(v2sf) =	vpush v1, $0x2  }
0x3f: {  	[smem:$0x13] =	sst s1;
	s25 =	spop (v2sf);
	(v2sf) =	vpush v1, $0x3  }
0x40: {  	[smem:$0x14] =	sst s25;
	s26 =	spop (v2sf);
	(v2sf) =	vpush v1, $0x4  }
0x41: {  	[smem:$0x15] =	sst s26;
	s29 =	spop (v2sf);
	(v2sf) =	vpush v1, $0x5  }
0x42: {  	[smem:$0x16] =	sst s29;
	s30 =	spop (v2sf);
	(v2sf) =	vpush v1, $0x6  }
0x43: {  	[smem:$0x17] =	sst s30;
	s31 =	spop (v2sf);
	(v2sf) =	vpush v1, $0x7  }
0x44: {  	[smem:$0x18] =	sst s31;
	s1 =	spop (v2sf);
	(v2sf) =	vpush v1, $0x8  }
0x45: {  	[smem:$0x19] =	sst s1;
	s25 =	spop (v2sf);
	(v2sf) =	vpush v1, $0x9  }
0x46: {  	[smem:$0x1A] =	sst s25;
	s26 =	spop (v2sf);
	(v2sf) =	vpush v1, $0xA  }
0x47: {  	[smem:$0x1B] =	sst s26;
	s29 =	spop (v2sf);
	(v2sf) =	vpush v1, $0xB  }
0x48: {  	[smem:$0x1C] =	sst s29;
	s30 =	spop (v2sf);
	(v2sf) =	vpush v1, $0xC  }
0x49: {  	[smem:$0x1D] =	sst s30;
	s31 =	spop (v2sf);
	(v2sf) =	vpush v1, $0xD  }
0x4a: {  	[smem:$0x1E] =	sst s31;
	s1 =	spop (v2sf);
	(v2sf) =	vpush v1, $0xE  }
0x4b: {  	(v2sf) =	vpush v1, $0xF;
	s25 =	spop (v2sf);
	[smem:$0x1F] =	sst s1;
	v1 =	vsub.s32 v2, v0  }
0x4c: {  	[smem:$0x20] =	sst s25;
	s26 =	spop (v2sf);
	(v2sf) =	vpush v1, $0x0  }
0x4d: {  	[smem:$0x21] =	sst s26;
	s29 =	spop (v2sf);
	(v2sf) =	vpush v1, $0x1  }
0x4e: {  	[smem:$0x22] =	sst s29;
	s30 =	spop (v2sf);
	(v2sf) =	vpush v1, $0x2  }
0x4f: {  	[smem:$0x23] =	sst s30;
	s31 =	spop (v2sf);
	(v2sf) =	vpush v1, $0x3  }
0x50: {  	[smem:$0x24] =	sst s31;
	s1 =	spop (v2sf);
	(v2sf) =	vpush v1, $0x4  }
0x51: {  	[smem:$0x25] =	sst s1;
	s25 =	spop (v2sf);
	(v2sf) =	vpush v1, $0x5  }
0x52: {  	[smem:$0x26] =	sst s25;
	s26 =	spop (v2sf);
	(v2sf) =	vpush v1, $0x6  }
0x53: {  	[smem:$0x27] =	sst s26;
	s29 =	spop (v2sf);
	(v2sf) =	vpush v1, $0x7  }
0x54: {  	[smem:$0x28] =	sst s29;
	s30 =	spop (v2sf);
	(v2sf) =	vpush v1, $0x8  }
0x55: {  	[smem:$0x29] =	sst s30;
	s31 =	spop (v2sf);
	(v2sf) =	vpush v1, $0x9  }
0x56: {  	[smem:$0x2A] =	sst s31;
	s1 =	spop (v2sf);
	(v2sf) =	vpush v1, $0xA  }
0x57: {  	[smem:$0x2B] =	sst s1;
	s25 =	spop (v2sf);
	(v2sf) =	vpush v1, $0xB  }
0x58: {  	[smem:$0x2C] =	sst s25;
	s26 =	spop (v2sf);
	(v2sf) =	vpush v1, $0xC  }
0x59: {  	[smem:$0x2D] =	sst s26;
	s29 =	spop (v2sf);
	(v2sf) =	vpush v1, $0xD  }
0x5a: {  	[smem:$0x2E] =	sst s29;
	s30 =	spop (v2sf);
	(v2sf) =	vpush v1, $0xE  }
0x5b: {  	[smem:$0x2F] =	sst s30;
	s31 =	spop (v2sf);
	(v2sf) =	vpush v1, $0xF  }
0x5c: {  	s1 =	spop (v2sf);
	[smem:$0x30] =	sst s31  }
0x5d: {  	s26 =	spop (v2sf);
	[smem:$0x31] =	sst s1  }
0x5e: {  	s29 =	spop (v2sf);
	[smem:$0x32] =	sst s26  }
0x5f: {  	s30 =	spop (v2sf);
	[smem:$0x33] =	sst s29  }
0x60: {  	s31 =	spop (v2sf);
	[smem:$0x34] =	sst s30  }
0x61: {  	s1 =	spop (v2sf);
	[smem:$0x35] =	sst s31  }
0x62: {  	s26 =	spop (v2sf);
	[smem:$0x36] =	sst s1  }
0x63: {  	s29 =	spop (v2sf);
	[smem:$0x37] =	sst s26  }
0x64: {  	s30 =	spop (v2sf);
	[smem:$0x38] =	sst s29  }
0x65: {  	s31 =	spop (v2sf);
	[smem:$0x39] =	sst s30  }
0x66: {  	s1 =	spop (v2sf);
	[smem:$0x3A] =	sst s31  }
0x67: {  	s26 =	spop (v2sf);
	[smem:$0x3B] =	sst s1  }
0x68: {  	s29 =	spop (v2sf);
	[smem:$0x3C] =	sst s26  }
0x69: {  	s30 =	spop (v2sf);
	[smem:$0x3D] =	sst s29  }
0x6a: {  	[smem:$0x3E] =	sst s30;
	s31 =	spop (v2sf)  }
0x6b: {  	[smem:$0x3F] =	sst s31  }
0x6c: {  	_ =	swait.ge [sflag:s17], $0x8000  }
0x6d: {  	[sflag:s17] =	ssyncset.done $0x0  }
0x6e: {  	[sflag:s17] =	ssyncadd.s32 $0xFFFF8000  }
0x6f: {  	[tilespmem:s18], [sflag:$0x7] =	stream.linear.gather [hbm4b:s7+s2], $0x4000, $0x38;
	[tilespmem:$0x18080] =	vst v63  }
0x70: {  	_ =	swait.ge [sflag:s19], $0x4000  }
0x71: {  	s28 =	simm.s32 $0x0;
	[sflag:s19] =	ssyncset.done $0x0  }
0x72: {  	s25 =	simm.s32 $0x0;
	s26 =	simm.s32 $0x0;
	[sflag:s19] =	ssyncadd.s32 $0xFFFFC000  }
.LBB2_2:
0x73: {  	s0 =	sshll.u32 s26, $0x2;
	s29 =	sand.u32 $0x7, s25  }
0x74: {  	s0 =	sand.u32 $0xFFFF8000, s0;
	s29 =	sshll.u32 s29, $0x9  }
0x75: {  	s0 =	sor.u32 s29, s0  }
0x76: {  	s0 =	sshrl.u32 s0, $0x2  }
0x77: {  	s0 =	sadd.s32 $0x10040, s0  }
0x78: {  	v1 =	vmov s0;
	_ =	sdelay $0x3  }
0x79: {  	s1 =	simm.s32 $0x0  }
0x7a: {  	v3 =	vld.idx.msk [tilespmem:v1+s1+$0xFFFFFFC0 ss:$0x1], $0xffff  }
0x7b: {  	s29 =	sld [smem:s28+$0x0];
	v4 =	vld.idx.msk [tilespmem:v1+s1+$0xFFFFFFD0 ss:$0x1], $0xffff  }
0x7c: {  	v5 =	vld.idx.msk [tilespmem:v1+s1+$0x30 ss:$0x1], $0xffff  }
0x7d: {  	v6 =	vld.idx.msk [tilespmem:v1+s1+$0xFFFFFFE0 ss:$0x1], $0xffff  }
0x7e: {  	s30 =	sshll.u32 s29, $0xA;
	s29 =	sshll.u32 s29, $0x7;
	v7 =	vld.idx.msk [tilespmem:v1+s1+$0xFFFFFFF0 ss:$0x1], $0xffff  }
0x7f: {  	s30 =	sand.u32 $0xFFFFE000, s30;
	s29 =	sand.u32 $0x380, s29;
	v8 =	vld.idx.msk [tilespmem:v1+s1+$0x0 ss:$0x1], $0xffff  }
0x80: {  	s29 =	sor.u32 s29, s30;
	v9 =	vld.idx.msk [tilespmem:v1+s1+$0x10 ss:$0x1], $0xffff  }
0x81: {  	s0 =	sadd.s32 $0x0, s29;
	v2 =	vld.idx.msk [tilespmem:v1+s1+$0x20 ss:$0x1], $0xffff  }
0x82: {  	[tilespmem:s0+$0x70] =	vst.add.f32.msk $0xffff, v5  }
0x83: {  	[tilespmem:s0+$0x0] =	vst.add.f32.msk $0xffff, v3  }
0x84: {  	[tilespmem:s0+$0x10] =	vst.add.f32.msk $0xffff, v4  }
0x85: {  	[tilespmem:s0+$0x20] =	vst.add.f32.msk $0xffff, v6  }
0x86: {  	[tilespmem:s0+$0x30] =	vst.add.f32.msk $0xffff, v7  }
0x87: {  	[tilespmem:s0+$0x40] =	vst.add.f32.msk $0xffff, v8  }
0x88: {  	s31 =	simm.s32 $0x1000;
	s30 =	simm.s32 $0x0;
	[tilespmem:s0+$0x50] =	vst.add.f32.msk $0xffff, v9  }
.LBB2_3:
0x89: {  	s1 =	sshra.s32 s31, $0x2;
	[tilespmem:s0+$0x60] =	vst.add.f32.msk $0xffff, v2  }
0x8a: {  	v3 =	vld.idx.msk [tilespmem:v1+s1+$0xFFFFFFC0 ss:$0x1], $0xffff  }
0x8b: {  	s30 =	sadd.s32 $0x8, s30;
	v4 =	vld.idx.msk [tilespmem:v1+s1+$0xFFFFFFD0 ss:$0x1], $0xffff  }
0x8c: {  	p0 =	slt.u32 s30, $0x38;
	v5 =	vld.idx.msk [tilespmem:v1+s1+$0x30 ss:$0x1], $0xffff  }
0x8d: {  	v6 =	vld.idx.msk [tilespmem:v1+s1+$0xFFFFFFE0 ss:$0x1], $0xffff  }
0x8e: {  	v7 =	vld.idx.msk [tilespmem:v1+s1+$0xFFFFFFF0 ss:$0x1], $0xffff  }
0x8f: {  	v8 =	vld.idx.msk [tilespmem:v1+s1+$0x0 ss:$0x1], $0xffff  }
0x90: {  	v9 =	vld.idx.msk [tilespmem:v1+s1+$0x10 ss:$0x1], $0xffff  }
0x91: {  	s0 =	sadd.s32 s1, s29;
	v2 =	vld.idx.msk [tilespmem:v1+s1+$0x20 ss:$0x1], $0xffff  }
0x92: {  	[tilespmem:s0+$0x70] =	vst.add.f32.msk $0xffff, v5  }
0x93: {  	[tilespmem:s0+$0x0] =	vst.add.f32.msk $0xffff, v3  }
.Ltmp0:
0x94: {  	[tilespmem:s0+$0x10] =	vst.add.f32.msk $0xffff, v4;
	(pc) =	sbr.rel @p0 .LBB2_3-.Ltmp0, $4  }
0x95: {  	[tilespmem:s0+$0x20] =	vst.add.f32.msk $0xffff, v6  }
0x96: {  	[tilespmem:s0+$0x30] =	vst.add.f32.msk $0xffff, v7  }
0x97: {  	[tilespmem:s0+$0x40] =	vst.add.f32.msk $0xffff, v8  }
0x98: {  	s31 =	sadd.s32 $0x1000, s31;
	[tilespmem:s0+$0x50] =	vst.add.f32.msk $0xffff, v9  }
0x99: {  	s28 =	sadd.s32 $0x1, s28  }
0x9a: {  	p0 =	sne.s32 s28, $0x10  }
.Ltmp1:
0x9b: {  	_ = 	snop;
	(pc) =	sbr.rel @p0 .LBB2_2-.Ltmp1, $2  }
0x9c: {  	_ =	sdelay $0x2  }
0x9d: {  	[tilespmem:s0+$0x60] =	vst.add.f32.msk $0xffff, v2;
	s26 =	sadd.s32 $0x400, s26;
	s25 =	sadd.s32 $0x1, s25  }
0x9e: {  	_ =	swait.ge [sflag:s20], $0x4000  }
0x9f: {  	s25 =	simm.s32 $0x0;
	[sflag:s20] =	ssyncset.done $0x0  }
0xa0: {  	s26 =	simm.s32 $0x0;
	s28 =	simm.s32 $0x0;
	[sflag:s20] =	ssyncadd.s32 $0xFFFFC000  }
.LBB2_6:
0xa1: {  	s0 =	sshll.u32 s26, $0x2;
	s1 =	sand.u32 $0x7, s25  }
0xa2: {  	s0 =	sand.u32 $0xFFFF8000, s0;
	s1 =	sshll.u32 s1, $0x9  }
0xa3: {  	s0 =	sor.u32 s1, s0  }
0xa4: {  	s0 =	sshrl.u32 s0, $0x2  }
0xa5: {  	s0 =	sadd.s32 $0x14040, s0  }
0xa6: {  	v1 =	vmov s0;
	_ =	sdelay $0x3  }
0xa7: {  	s0 =	simm.s32 $0x0  }
0xa8: {  	v3 =	vld.idx.msk [tilespmem:v1+s0+$0xFFFFFFC0 ss:$0x1], $0xffff  }
0xa9: {  	s1 =	sld [smem:s28+$0x10];
	v4 =	vld.idx.msk [tilespmem:v1+s0+$0xFFFFFFD0 ss:$0x1], $0xffff  }
0xaa: {  	v5 =	vld.idx.msk [tilespmem:v1+s0+$0x30 ss:$0x1], $0xffff  }
0xab: {  	v6 =	vld.idx.msk [tilespmem:v1+s0+$0xFFFFFFE0 ss:$0x1], $0xffff  }
0xac: {  	s29 =	sshll.u32 s1, $0xA;
	s1 =	sshll.u32 s1, $0x7;
	v7 =	vld.idx.msk [tilespmem:v1+s0+$0xFFFFFFF0 ss:$0x1], $0xffff  }
0xad: {  	s29 =	sand.u32 $0xFFFFE000, s29;
	s1 =	sand.u32 $0x380, s1;
	v8 =	vld.idx.msk [tilespmem:v1+s0+$0x0 ss:$0x1], $0xffff  }
0xae: {  	s29 =	sor.u32 s1, s29;
	v9 =	vld.idx.msk [tilespmem:v1+s0+$0x10 ss:$0x1], $0xffff  }
0xaf: {  	v2 =	vld.idx.msk [tilespmem:v1+s0+$0x20 ss:$0x1], $0xffff;
	s0 =	sadd.s32 $0x0, s29  }
0xb0: {  	[tilespmem:s0+$0x70] =	vst.add.f32.msk $0xffff, v5  }
0xb1: {  	[tilespmem:s0+$0x0] =	vst.add.f32.msk $0xffff, v3  }
0xb2: {  	[tilespmem:s0+$0x10] =	vst.add.f32.msk $0xffff, v4  }
0xb3: {  	[tilespmem:s0+$0x20] =	vst.add.f32.msk $0xffff, v6  }
0xb4: {  	[tilespmem:s0+$0x30] =	vst.add.f32.msk $0xffff, v7  }
0xb5: {  	[tilespmem:s0+$0x40] =	vst.add.f32.msk $0xffff, v8  }
0xb6: {  	s30 =	simm.s32 $0x0;
	s31 =	simm.s32 $0x1000;
	[tilespmem:s0+$0x50] =	vst.add.f32.msk $0xffff, v9  }
.LBB2_7:
0xb7: {  	s1 =	sshra.s32 s31, $0x2;
	[tilespmem:s0+$0x60] =	vst.add.f32.msk $0xffff, v2  }
0xb8: {  	v3 =	vld.idx.msk [tilespmem:v1+s1+$0xFFFFFFC0 ss:$0x1], $0xffff  }
0xb9: {  	s30 =	sadd.s32 $0x8, s30;
	v4 =	vld.idx.msk [tilespmem:v1+s1+$0xFFFFFFD0 ss:$0x1], $0xffff  }
0xba: {  	p0 =	slt.u32 s30, $0x38;
	v5 =	vld.idx.msk [tilespmem:v1+s1+$0x30 ss:$0x1], $0xffff  }
0xbb: {  	v6 =	vld.idx.msk [tilespmem:v1+s1+$0xFFFFFFE0 ss:$0x1], $0xffff  }
0xbc: {  	v7 =	vld.idx.msk [tilespmem:v1+s1+$0xFFFFFFF0 ss:$0x1], $0xffff  }
0xbd: {  	v8 =	vld.idx.msk [tilespmem:v1+s1+$0x0 ss:$0x1], $0xffff  }
0xbe: {  	v9 =	vld.idx.msk [tilespmem:v1+s1+$0x10 ss:$0x1], $0xffff  }
0xbf: {  	s0 =	sadd.s32 s1, s29;
	v2 =	vld.idx.msk [tilespmem:v1+s1+$0x20 ss:$0x1], $0xffff  }
0xc0: {  	[tilespmem:s0+$0x70] =	vst.add.f32.msk $0xffff, v5  }
0xc1: {  	[tilespmem:s0+$0x0] =	vst.add.f32.msk $0xffff, v3  }
.Ltmp2:
0xc2: {  	[tilespmem:s0+$0x10] =	vst.add.f32.msk $0xffff, v4;
	(pc) =	sbr.rel @p0 .LBB2_7-.Ltmp2, $4  }
0xc3: {  	[tilespmem:s0+$0x20] =	vst.add.f32.msk $0xffff, v6  }
0xc4: {  	[tilespmem:s0+$0x30] =	vst.add.f32.msk $0xffff, v7  }
0xc5: {  	[tilespmem:s0+$0x40] =	vst.add.f32.msk $0xffff, v8  }
0xc6: {  	s31 =	sadd.s32 $0x1000, s31;
	[tilespmem:s0+$0x50] =	vst.add.f32.msk $0xffff, v9  }
0xc7: {  	s28 =	sadd.s32 $0x1, s28  }
0xc8: {  	p0 =	sne.s32 s28, $0x10  }
.Ltmp3:
0xc9: {  	_ = 	snop;
	(pc) =	sbr.rel @p0 .LBB2_6-.Ltmp3, $2  }
0xca: {  	_ =	sdelay $0x2  }
0xcb: {  	[tilespmem:s0+$0x60] =	vst.add.f32.msk $0xffff, v2;
	s26 =	sadd.s32 $0x400, s26;
	s25 =	sadd.s32 $0x1, s25  }
0xcc: {  	s25 =	simm.s32 $0x0  }
0xcd: {  	[hbm4b:s8+s25] =	stream.linear.scatter [tilespmem:s25], [sflag:$0x3], $0x8000, $0x38;
	[tilespmem:$0x18080] =	vst v63  }
0xce: {  	_ = 	snop  }
0xcf: {  	[tilespmem:s16], [sflag:$0x6] =	stream.linear.gather [hbm4b:s9+s25], $0x4000, $0x38;
	[tilespmem:$0x18080] =	vst v63  }
0xd0: {  	_ =	swait.ge [sflag:s21], $0x8000  }
0xd1: {  	[sflag:s21] =	ssyncset.done $0x0  }
0xd2: {  	[sflag:s21] =	ssyncadd.s32 $0xFFFF8000  }
0xd3: {  	[tilespmem:s18], [sflag:$0x7] =	stream.linear.gather [hbm4b:s10+s25], $0x4000, $0x38;
	[tilespmem:$0x18080] =	vst v63  }
0xd4: {  	_ =	swait.ge [sflag:s19], $0x4000  }
0xd5: {  	[sflag:s19] =	ssyncset.done $0x0  }
0xd6: {  	s26 =	simm.s32 $0x0;
	s28 =	simm.s32 $0x0;
	[sflag:s19] =	ssyncadd.s32 $0xFFFFC000  }
.LBB2_10:
0xd7: {  	s0 =	sshll.u32 s26, $0x2;
	s1 =	sand.u32 $0x7, s25  }
0xd8: {  	s0 =	sand.u32 $0xFFFF8000, s0;
	s1 =	sshll.u32 s1, $0x9  }
0xd9: {  	s0 =	sor.u32 s1, s0  }
0xda: {  	s0 =	sshrl.u32 s0, $0x2  }
0xdb: {  	s0 =	sadd.s32 $0x10040, s0  }
0xdc: {  	v1 =	vmov s0;
	_ =	sdelay $0x3  }
0xdd: {  	s1 =	simm.s32 $0x0;
	s0 =	sld [smem:s28+$0x20]  }
0xde: {  	v3 =	vld.idx.msk [tilespmem:v1+s1+$0xFFFFFFC0 ss:$0x1], $0xffff  }
0xdf: {  	v4 =	vld.idx.msk [tilespmem:v1+s1+$0xFFFFFFD0 ss:$0x1], $0xffff  }
0xe0: {  	s29 =	sshll.u32 s0, $0xC;
	s0 =	sand.u32 $0x7, s0;
	v5 =	vld.idx.msk [tilespmem:v1+s1+$0x30 ss:$0x1], $0xffff  }
0xe1: {  	s29 =	sand.u32 $0xFFFF8000, s29;
	s0 =	sshll.u32 s0, $0x9;
	v6 =	vld.idx.msk [tilespmem:v1+s1+$0xFFFFFFE0 ss:$0x1], $0xffff  }
0xe2: {  	s0 =	sor.u32 s0, s29;
	v7 =	vld.idx.msk [tilespmem:v1+s1+$0xFFFFFFF0 ss:$0x1], $0xffff  }
0xe3: {  	v8 =	vld.idx.msk [tilespmem:v1+s1+$0x0 ss:$0x1], $0xffff;
	s0 =	sshra.s32 s0, $0x2  }
0xe4: {  	v9 =	vld.idx.msk [tilespmem:v1+s1+$0x10 ss:$0x1], $0xffff;
	s29 =	sadd.s32 $0x8000, s0  }
0xe5: {  	v2 =	vld.idx.msk [tilespmem:v1+s1+$0x20 ss:$0x1], $0xffff;
	s0 =	sadd.s32 $0x0, s29  }
0xe6: {  	[tilespmem:s0+$0xFFFF8070] =	vst.add.f32.msk $0xffff, v5  }
0xe7: {  	[tilespmem:s0+$0xFFFF8000] =	vst.add.f32.msk $0xffff, v3  }
0xe8: {  	[tilespmem:s0+$0xFFFF8010] =	vst.add.f32.msk $0xffff, v4  }
0xe9: {  	[tilespmem:s0+$0xFFFF8020] =	vst.add.f32.msk $0xffff, v6  }
0xea: {  	[tilespmem:s0+$0xFFFF8030] =	vst.add.f32.msk $0xffff, v7  }
0xeb: {  	[tilespmem:s0+$0xFFFF8040] =	vst.add.f32.msk $0xffff, v8  }
0xec: {  	s30 =	simm.s32 $0x0;
	s31 =	simm.s32 $0x1000;
	[tilespmem:s0+$0xFFFF8050] =	vst.add.f32.msk $0xffff, v9  }
.LBB2_11:
0xed: {  	s1 =	sshra.s32 s31, $0x2;
	[tilespmem:s0+$0xFFFF8060] =	vst.add.f32.msk $0xffff, v2  }
0xee: {  	v3 =	vld.idx.msk [tilespmem:v1+s1+$0xFFFFFFC0 ss:$0x1], $0xffff  }
0xef: {  	s30 =	sadd.s32 $0x8, s30;
	v4 =	vld.idx.msk [tilespmem:v1+s1+$0xFFFFFFD0 ss:$0x1], $0xffff  }
0xf0: {  	p0 =	slt.u32 s30, $0x38;
	v5 =	vld.idx.msk [tilespmem:v1+s1+$0x30 ss:$0x1], $0xffff  }
0xf1: {  	v6 =	vld.idx.msk [tilespmem:v1+s1+$0xFFFFFFE0 ss:$0x1], $0xffff  }
0xf2: {  	v7 =	vld.idx.msk [tilespmem:v1+s1+$0xFFFFFFF0 ss:$0x1], $0xffff  }
0xf3: {  	v8 =	vld.idx.msk [tilespmem:v1+s1+$0x0 ss:$0x1], $0xffff  }
0xf4: {  	v9 =	vld.idx.msk [tilespmem:v1+s1+$0x10 ss:$0x1], $0xffff  }
0xf5: {  	s0 =	sadd.s32 s1, s29;
	v2 =	vld.idx.msk [tilespmem:v1+s1+$0x20 ss:$0x1], $0xffff  }
0xf6: {  	[tilespmem:s0+$0xFFFF8070] =	vst.add.f32.msk $0xffff, v5  }
0xf7: {  	[tilespmem:s0+$0xFFFF8000] =	vst.add.f32.msk $0xffff, v3  }
.Ltmp4:
0xf8: {  	[tilespmem:s0+$0xFFFF8010] =	vst.add.f32.msk $0xffff, v4;
	(pc) =	sbr.rel @p0 .LBB2_11-.Ltmp4, $4  }
0xf9: {  	[tilespmem:s0+$0xFFFF8020] =	vst.add.f32.msk $0xffff, v6  }
0xfa: {  	[tilespmem:s0+$0xFFFF8030] =	vst.add.f32.msk $0xffff, v7  }
0xfb: {  	[tilespmem:s0+$0xFFFF8040] =	vst.add.f32.msk $0xffff, v8  }
0xfc: {  	s31 =	sadd.s32 $0x1000, s31;
	[tilespmem:s0+$0xFFFF8050] =	vst.add.f32.msk $0xffff, v9  }
0xfd: {  	s28 =	sadd.s32 $0x1, s28  }
0xfe: {  	p0 =	sne.s32 s28, $0x10  }
.Ltmp5:
0xff: {  	_ = 	snop;
	(pc) =	sbr.rel @p0 .LBB2_10-.Ltmp5, $2  }
0x100: {  	_ =	sdelay $0x2  }
0x101: {  	[tilespmem:s0+$0xFFFF8060] =	vst.add.f32.msk $0xffff, v2;
	s26 =	sadd.s32 $0x400, s26;
	s25 =	sadd.s32 $0x1, s25  }
0x102: {  	_ =	swait.ge [sflag:s20], $0x4000  }
0x103: {  	s25 =	simm.s32 $0x0;
	[sflag:s20] =	ssyncset.done $0x0  }
0x104: {  	s26 =	simm.s32 $0x0;
	s28 =	simm.s32 $0x0;
	[sflag:s20] =	ssyncadd.s32 $0xFFFFC000  }
.LBB2_14:
0x105: {  	s0 =	sshll.u32 s26, $0x2;
	s1 =	sand.u32 $0x7, s25  }
0x106: {  	s0 =	sand.u32 $0xFFFF8000, s0;
	s1 =	sshll.u32 s1, $0x9  }
0x107: {  	s0 =	sor.u32 s1, s0  }
0x108: {  	s0 =	sshrl.u32 s0, $0x2  }
0x109: {  	s0 =	sadd.s32 $0x14040, s0  }
0x10a: {  	v1 =	vmov s0;
	_ =	sdelay $0x3  }
0x10b: {  	s1 =	simm.s32 $0x0;
	s0 =	sld [smem:s28+$0x30]  }
0x10c: {  	v3 =	vld.idx.msk [tilespmem:v1+s1+$0xFFFFFFC0 ss:$0x1], $0xffff  }
0x10d: {  	v4 =	vld.idx.msk [tilespmem:v1+s1+$0xFFFFFFD0 ss:$0x1], $0xffff  }
0x10e: {  	s29 =	sshll.u32 s0, $0xC;
	s0 =	sand.u32 $0x7, s0;
	v5 =	vld.idx.msk [tilespmem:v1+s1+$0x30 ss:$0x1], $0xffff  }
0x10f: {  	s29 =	sand.u32 $0xFFFF8000, s29;
	s0 =	sshll.u32 s0, $0x9;
	v6 =	vld.idx.msk [tilespmem:v1+s1+$0xFFFFFFE0 ss:$0x1], $0xffff  }
0x110: {  	s0 =	sor.u32 s0, s29;
	v7 =	vld.idx.msk [tilespmem:v1+s1+$0xFFFFFFF0 ss:$0x1], $0xffff  }
0x111: {  	v8 =	vld.idx.msk [tilespmem:v1+s1+$0x0 ss:$0x1], $0xffff;
	s0 =	sshra.s32 s0, $0x2  }
0x112: {  	v9 =	vld.idx.msk [tilespmem:v1+s1+$0x10 ss:$0x1], $0xffff;
	s29 =	sadd.s32 $0x8000, s0  }
0x113: {  	v2 =	vld.idx.msk [tilespmem:v1+s1+$0x20 ss:$0x1], $0xffff;
	s0 =	sadd.s32 $0x0, s29  }
0x114: {  	[tilespmem:s0+$0xFFFF8070] =	vst.add.f32.msk $0xffff, v5  }
0x115: {  	[tilespmem:s0+$0xFFFF8000] =	vst.add.f32.msk $0xffff, v3  }
0x116: {  	[tilespmem:s0+$0xFFFF8010] =	vst.add.f32.msk $0xffff, v4  }
0x117: {  	[tilespmem:s0+$0xFFFF8020] =	vst.add.f32.msk $0xffff, v6  }
0x118: {  	[tilespmem:s0+$0xFFFF8030] =	vst.add.f32.msk $0xffff, v7  }
0x119: {  	[tilespmem:s0+$0xFFFF8040] =	vst.add.f32.msk $0xffff, v8  }
0x11a: {  	s30 =	simm.s32 $0x0;
	s31 =	simm.s32 $0x1000;
	[tilespmem:s0+$0xFFFF8050] =	vst.add.f32.msk $0xffff, v9  }
.LBB2_15:
0x11b: {  	s1 =	sshra.s32 s31, $0x2;
	[tilespmem:s0+$0xFFFF8060] =	vst.add.f32.msk $0xffff, v2  }
0x11c: {  	v3 =	vld.idx.msk [tilespmem:v1+s1+$0xFFFFFFC0 ss:$0x1], $0xffff  }
0x11d: {  	s30 =	sadd.s32 $0x8, s30;
	v4 =	vld.idx.msk [tilespmem:v1+s1+$0xFFFFFFD0 ss:$0x1], $0xffff  }
0x11e: {  	p0 =	slt.u32 s30, $0x38;
	v5 =	vld.idx.msk [tilespmem:v1+s1+$0x30 ss:$0x1], $0xffff  }
0x11f: {  	v6 =	vld.idx.msk [tilespmem:v1+s1+$0xFFFFFFE0 ss:$0x1], $0xffff  }
0x120: {  	v7 =	vld.idx.msk [tilespmem:v1+s1+$0xFFFFFFF0 ss:$0x1], $0xffff  }
0x121: {  	v8 =	vld.idx.msk [tilespmem:v1+s1+$0x0 ss:$0x1], $0xffff  }
0x122: {  	v9 =	vld.idx.msk [tilespmem:v1+s1+$0x10 ss:$0x1], $0xffff  }
0x123: {  	s0 =	sadd.s32 s1, s29;
	v2 =	vld.idx.msk [tilespmem:v1+s1+$0x20 ss:$0x1], $0xffff  }
0x124: {  	[tilespmem:s0+$0xFFFF8070] =	vst.add.f32.msk $0xffff, v5  }
0x125: {  	[tilespmem:s0+$0xFFFF8000] =	vst.add.f32.msk $0xffff, v3  }
.Ltmp6:
0x126: {  	[tilespmem:s0+$0xFFFF8010] =	vst.add.f32.msk $0xffff, v4;
	(pc) =	sbr.rel @p0 .LBB2_15-.Ltmp6, $4  }
0x127: {  	[tilespmem:s0+$0xFFFF8020] =	vst.add.f32.msk $0xffff, v6  }
0x128: {  	[tilespmem:s0+$0xFFFF8030] =	vst.add.f32.msk $0xffff, v7  }
0x129: {  	[tilespmem:s0+$0xFFFF8040] =	vst.add.f32.msk $0xffff, v8  }
0x12a: {  	s31 =	sadd.s32 $0x1000, s31;
	[tilespmem:s0+$0xFFFF8050] =	vst.add.f32.msk $0xffff, v9  }
0x12b: {  	s28 =	sadd.s32 $0x1, s28  }
0x12c: {  	p0 =	sne.s32 s28, $0x10  }
.Ltmp7:
0x12d: {  	_ = 	snop;
	(pc) =	sbr.rel @p0 .LBB2_14-.Ltmp7, $2  }
0x12e: {  	_ =	sdelay $0x2  }
0x12f: {  	[tilespmem:s0+$0xFFFF8060] =	vst.add.f32.msk $0xffff, v2;
	s26 =	sadd.s32 $0x400, s26;
	s25 =	sadd.s32 $0x1, s25  }
0x130: {  	[hbm4b:s11+s2] =	stream.linear.scatter [tilespmem:s14], [sflag:$0x4], $0x8000, $0x38;
	[tilespmem:$0x18080] =	vst v63  }
0x131: {  	s24 =	sadd.s32 $0x1, s24  }
0x132: {  	_ =	swait.ge [sflag:s22], $0x8000;
	p0 =	sne.s32 s24, s12  }
.Ltmp8:
0x133: {  	[sflag:s22] =	ssyncset.done $0x0;
	(pc) =	sbr.rel @p0 .LBB2_1-.Ltmp8, $4  }
0x134: {  	[sflag:s22] =	ssyncadd.s32 $0xFFFF8000  }
0x135: {  	_ =	swait.ge [sflag:s23], $0x8000  }
0x136: {  	[sflag:s23] =	ssyncset.done $0x0  }
0x137: {  	[sflag:s23] =	ssyncadd.s32 $0xFFFF8000  }
0x138: {  	_ =	sfence.sel $0x180000  }
0x139: {  	[bflag:$0x0] =	sbarrier.arrive $0xFFFF  }
0x13a: {  	_ =	strace $0x90000047  }
0x13b: {  	s0 =	stileid.u32;
	[bflag:$0x2] =	sbarrier.arrive $0xFFFF  }
0x13c: {  	p0 =	sne.s32 s0, $0x0;
	s0 =	rddreg [dreg:$0x2]  }
0x13d: {  	s0 =	sadd.s32 @!p0 $0x100000, s0  }
0x13e: {  	[sflag:s0] =	ssyncadd.tile.s32 @!p0 $0x1;
	_ =	shalt  }
.Lfunc_end2:
_tile_overlayer_lowered:
.L_overlay_start_2:
0x13f: {  	(tag) =	ssettag $0x2  }
0x140: {  	s0 =	rddreg [dreg:$0x0];
	s2 =	stileid.u32  }
0x141: {  	s1 =	rddreg [dreg:$0x1];
	p0 =	sne.s32 s2, $0x0  }
0x142: {  	s3 =	rddreg [dreg:$0x2];
	[bflag:$0x3] =	sbarrier.arrive $0xFFFF;
	s2 =	simm.s32 @!p0 $0x1C08  }
0x143: {  	[timem:s3], [sflag:s2] =	dma.local @!p0 [hbm:s0], s1  }
0x144: {  	s0 =	simm.s32 @!p0 $0x8  }
0x145: {  	_ =	swait.ge @!p0 [sflag:s0], s1  }
0x146: {  	s1 =	ssub.s32 @!p0 $0x0, s1;
	[sflag:s0] =	ssyncset.done @!p0 $0x0  }
0x147: {  	[sflag:s0] =	ssyncadd.s32 @!p0 s1  }
0x148: {  	[bflag:$0x3] =	sbarrier.arrive $0xFFFF  }
0x149: {  	_ =	shalt  }

</sc_bundles>
